<compile_context>
chip_gen: v7x
topology: tpu7x:2x2x1
jax: 0.10.2.dev20260603
libtpu: 0.0.44.dev20260713+nightly
codegen_flags: <defaults>
</compile_context>

<pallas_src>
import functools

import jax
import jax.numpy as jnp
from jax import lax
from jax.experimental import pallas as pl
from jax.experimental.pallas import tpu as pltpu
from jax.experimental.pallas import tpu_sc as plsc

_B, _A = 16384, 512
_NC, _NS, _L = 2, 16, 16
_NW = _NC * _NS
_ROWS_W = _B // _NW
_CR = 32
_NCHUNK = _ROWS_W // _CR
_NPAIR = _NCHUNK // 2
_NGRP = (_CR // 4) * (_A // _L)


def _body(loc_hbm, tgt_hbm, msk_hbm, out_hbm,
          loc_v0, loc_v1, tgt_v0, tgt_v1, msk_v0, msk_v1,
          in_sem0, in_sem1, out_sem0, out_sem1):
    wid = lax.axis_index("s") * _NC + lax.axis_index("c")
    base = wid * _ROWS_W
    loc_v = (loc_v0, loc_v1)
    tgt_v = (tgt_v0, tgt_v1)
    msk_v = (msk_v0, msk_v1)
    in_sem = (in_sem0, in_sem1)
    out_sem = (out_sem0, out_sem1)

    def row_off(i):
        return pl.multiple_of(base + i * _CR, _CR)

    def in_copies(i, p):
        r0 = row_off(i)
        return (
            pltpu.make_async_copy(loc_hbm.at[pl.ds(r0, _CR), :], loc_v[p], in_sem[p]),
            pltpu.make_async_copy(tgt_hbm.at[pl.ds(r0, _CR), :], tgt_v[p], in_sem[p]),
            pltpu.make_async_copy(msk_hbm.at[pl.ds(r0, _CR), :], msk_v[p], in_sem[p]),
        )

    def start_in(i, p):
        for d in in_copies(i, p):
            d.start()

    def wait_in(i, p):
        for d in in_copies(i, p):
            d.wait()

    def out_copy(i, p):
        return pltpu.make_async_copy(
            loc_v[p], out_hbm.at[pl.ds(row_off(i), _CR), :], out_sem[p])

    def compute(p):
        lv, tv = loc_v[p], tgt_v[p]
        mw = msk_v[p].bitcast(jnp.int32)

        @plsc.parallel_loop(0, _NGRP, unroll=4)
        def grp_body(g):
            s = g >> 5
            c = (g & 31) * _L
            m_words = mw[s, pl.ds(c, _L)]
            for k in range(4):
                r = s * 4 + k
                sl = pl.ds(c, _L)
                m8 = lax.shift_right_logical(m_words, 8 * k) & 0xFF
                l = lv[r, sl]
                t = tv[r, sl]
                lv[r, sl] = jnp.where(m8 != 0, t, l)

    start_in(0, 0)

    def pair_body(j, carry):
        a = j * 2
        wait_in(a, 0)

        @pl.when(j > 0)
        def _():
            out_copy(a - 2, 0).wait()

        start_in(a + 1, 1)
        compute(0)
        out_copy(a, 0).start()

        wait_in(a + 1, 1)

        @pl.when(j > 0)
        def _():
            out_copy(a - 1, 1).wait()

        @pl.when(j < _NPAIR - 1)
        def _():
            start_in(a + 2, 0)

        compute(1)
        out_copy(a + 1, 1).start()
        return carry

    lax.fori_loop(0, _NPAIR, pair_body, 0)
    out_copy(_NCHUNK - 2, 0).wait()
    out_copy(_NCHUNK - 1, 1).wait()


@jax.jit
def kernel(location, movement_targets, movement_mask):
    mesh = plsc.VectorSubcoreMesh(core_axis_name="c", subcore_axis_name="s")
    out = pl.kernel(
        _body,
        mesh=mesh,
        out_type=jax.ShapeDtypeStruct((_B, _A), jnp.int32),
        scratch_types=[
            pltpu.VMEM((_CR, _A), jnp.int32),
            pltpu.VMEM((_CR, _A), jnp.int32),
            pltpu.VMEM((_CR, _A), jnp.int32),
            pltpu.VMEM((_CR, _A), jnp.int32),
            pltpu.VMEM((_CR, _A), jnp.uint8),
            pltpu.VMEM((_CR, _A), jnp.uint8),
            pltpu.SemaphoreType.DMA,
            pltpu.SemaphoreType.DMA,
            pltpu.SemaphoreType.DMA,
            pltpu.SemaphoreType.DMA,
        ],
        compiler_params=pltpu.CompilerParams(
            use_tc_tiling_on_sc=True, skip_device_barrier=True),
    )(location, movement_targets, movement_mask.view(jnp.uint8))
    return out

# --- scband reference (transcript-rebuilt; emitter-appended) ---
"""Pipeline reference for scband-movement-transition-90778428768809 (READ-ONLY COPY).

The authoritative reference and input builder live on the scoring server;
editing this copy changes nothing except your own understanding.
"""

import jax, jax.numpy as jnp
import numpy as np


def setup_inputs(seed: int = 0) -> dict:
    key = jax.random.key(seed)
    k1, k2, k3 = jax.random.split(key, 3)
    B, A, N_NODES = 16384, 512, 10000
    # state.location: current node index of each agent in each env
    location = jax.random.randint(k1, (B, A), 0, N_NODES, dtype=jnp.int32)
    movement_targets = jax.random.randint(k2, (B, A), 0, N_NODES, dtype=jnp.int32)
    movement_mask = jax.random.randint(k3, (B, A), 0, 2, dtype=jnp.int32) == 1
    return {
        "location": location,
        "movement_targets": movement_targets,
        "movement_mask": movement_mask,
    }


def reference(location, movement_targets, movement_mask):
    # Torch: state.location[movement_mask] = movement_targets[movement_mask]
    # Masked scatter-overwrite == elementwise select since shapes align.
    new_location = jnp.where(movement_mask, movement_targets, location)
    return new_location

if __name__ == "__main__":
    import jax
    _d = setup_inputs()
    print(jax.jit(kernel)(*tuple(_d.values())))

</pallas_src>

<mosaic_0001>
#map = affine_map<(d0, d1) -> (0, 0)>
module attributes {stable_mosaic.version = 14 : i64} {
  func.func @_body(%arg0: i32, %arg1: i32, %arg2: memref<16384x512xi32, #tpu.memory_space<hbm>>, %arg3: memref<16384x512xi32, #tpu.memory_space<hbm>>, %arg4: memref<16384x512xi8, #tpu.memory_space<hbm>>, %arg5: memref<16384x512xi32, #tpu.memory_space<hbm>>, %arg6: memref<32x512xi32, #tpu.memory_space<vmem>>, %arg7: memref<32x512xi32, #tpu.memory_space<vmem>>, %arg8: memref<32x512xi32, #tpu.memory_space<vmem>>, %arg9: memref<32x512xi32, #tpu.memory_space<vmem>>, %arg10: memref<32x512xi8, #tpu.memory_space<vmem>>, %arg11: memref<32x512xi8, #tpu.memory_space<vmem>>, %arg12: memref<!tpu.dma_semaphore, #tpu.memory_space<semaphore_mem>>, %arg13: memref<!tpu.dma_semaphore, #tpu.memory_space<semaphore_mem>>, %arg14: memref<!tpu.dma_semaphore, #tpu.memory_space<semaphore_mem>>, %arg15: memref<!tpu.dma_semaphore, #tpu.memory_space<semaphore_mem>>) attributes {dimension_semantics = [#tpu.dimension_semantics<core_parallel>, #tpu.dimension_semantics<subcore_parallel>], iteration_bounds = array<i64: 2, 16>, scalar_prefetch = 0 : i64, scratch_operands = 10 : i64, tpu.core_type = #tpu.core_type<sc_vector_subcore>, window_params = [{transform_indices = #map}, {transform_indices = #map}, {transform_indices = #map}, {transform_indices = #map}]} {
    %mul3A = arith.constant 2 : i32
    %mul3A_0 = arith.muli %arg1, %mul3A : i32
    %add3A = arith.addi %mul3A_0, %arg0 : i32
    %mul3A_1 = arith.constant 512 : i32
    %mul3A_2 = arith.muli %add3A, %mul3A_1 : i32
    %add3A_3 = arith.constant 0 : i32
    %add3A_4 = arith.addi %mul3A_2, %add3A_3 : i32
    %multiple_of3A = tpu.assume_multiple %add3A_4, 32 : i32
    %dma_start3A = arith.constant 0 : i32
    %dma_start3A_5 = tpu.memref_slice %arg2[%multiple_of3A, %dma_start3A] : memref<16384x512xi32, #tpu.memory_space<hbm>> -> memref<32x512xi32, #tpu.memory_space<hbm>>
    %dma_start3A_6 = arith.constant 0 : i32
    %dma_start3A_7 = tpu.memref_slice %arg2[%multiple_of3A, %dma_start3A_6] : memref<16384x512xi32, #tpu.memory_space<hbm>> -> memref<32x512xi32, #tpu.memory_space<hbm>>
    tpu.enqueue_dma source(%dma_start3A_7 : memref<32x512xi32, #tpu.memory_space<hbm>>) target(%arg6 : memref<32x512xi32, #tpu.memory_space<vmem>>) target_semaphore(%arg12 : memref<!tpu.dma_semaphore, #tpu.memory_space<semaphore_mem>>)
    %dma_start3A_8 = arith.constant 0 : i32
    %dma_start3A_9 = tpu.memref_slice %arg3[%multiple_of3A, %dma_start3A_8] : memref<16384x512xi32, #tpu.memory_space<hbm>> -> memref<32x512xi32, #tpu.memory_space<hbm>>
    %dma_start3A_10 = arith.constant 0 : i32
    %dma_start3A_11 = tpu.memref_slice %arg3[%multiple_of3A, %dma_start3A_10] : memref<16384x512xi32, #tpu.memory_space<hbm>> -> memref<32x512xi32, #tpu.memory_space<hbm>>
    tpu.enqueue_dma source(%dma_start3A_11 : memref<32x512xi32, #tpu.memory_space<hbm>>) target(%arg8 : memref<32x512xi32, #tpu.memory_space<vmem>>) target_semaphore(%arg12 : memref<!tpu.dma_semaphore, #tpu.memory_space<semaphore_mem>>)
    %dma_start3A_12 = arith.constant 0 : i32
    %dma_start3A_13 = tpu.memref_slice %arg4[%multiple_of3A, %dma_start3A_12] : memref<16384x512xi8, #tpu.memory_space<hbm>> -> memref<32x512xi8, #tpu.memory_space<hbm>>
    %dma_start3A_14 = arith.constant 0 : i32
    %dma_start3A_15 = tpu.memref_slice %arg4[%multiple_of3A, %dma_start3A_14] : memref<16384x512xi8, #tpu.memory_space<hbm>> -> memref<32x512xi8, #tpu.memory_space<hbm>>
    tpu.enqueue_dma source(%dma_start3A_15 : memref<32x512xi8, #tpu.memory_space<hbm>>) target(%arg10 : memref<32x512xi8, #tpu.memory_space<vmem>>) target_semaphore(%arg12 : memref<!tpu.dma_semaphore, #tpu.memory_space<semaphore_mem>>)
    %scan3A = arith.constant 0 : i32
    %scan3A_16 = arith.constant 0 : i32
    %scan3A_17 = arith.constant 8 : i32
    %scan3A_18 = arith.addi %scan3A_16, %scan3A_17 : i32
    %scan3A_19 = arith.constant 1 : i32
    scf.for %scan3A_34 = %scan3A_16 to %scan3A_18 step %scan3A_19  : i32 {
      %mul3A_35 = arith.constant 2 : i32
      %mul3A_36 = arith.muli %scan3A_34, %mul3A_35 : i32
      %mul3A_37 = arith.constant 32 : i32
      %mul3A_38 = arith.muli %mul3A_36, %mul3A_37 : i32
      %add3A_39 = arith.addi %mul3A_2, %mul3A_38 : i32
      %multiple_of3A_40 = tpu.assume_multiple %add3A_39, 32 : i32
      %dma_wait3A_41 = arith.constant 0 : i32
      %dma_wait3A_42 = tpu.memref_slice %arg2[%multiple_of3A_40, %dma_wait3A_41] : memref<16384x512xi32, #tpu.memory_space<hbm>> -> memref<32x512xi32, #tpu.memory_space<hbm>>
      %dma_wait3A_43 = arith.constant 0 : i32
      %dma_wait3A_44 = tpu.memref_slice %arg2[%multiple_of3A_40, %dma_wait3A_43] : memref<16384x512xi32, #tpu.memory_space<hbm>> -> memref<32x512xi32, #tpu.memory_space<hbm>>
      tpu.wait_dma2 semaphore(%arg12 : memref<!tpu.dma_semaphore, #tpu.memory_space<semaphore_mem>>) src(%dma_wait3A_44 : memref<32x512xi32, #tpu.memory_space<hbm>>) dst(%arg6 : memref<32x512xi32, #tpu.memory_space<vmem>>)
      %dma_wait3A_45 = arith.constant 0 : i32
      %dma_wait3A_46 = tpu.memref_slice %arg3[%multiple_of3A_40, %dma_wait3A_45] : memref<16384x512xi32, #tpu.memory_space<hbm>> -> memref<32x512xi32, #tpu.memory_space<hbm>>
      %dma_wait3A_47 = arith.constant 0 : i32
      %dma_wait3A_48 = tpu.memref_slice %arg3[%multiple_of3A_40, %dma_wait3A_47] : memref<16384x512xi32, #tpu.memory_space<hbm>> -> memref<32x512xi32, #tpu.memory_space<hbm>>
      tpu.wait_dma2 semaphore(%arg12 : memref<!tpu.dma_semaphore, #tpu.memory_space<semaphore_mem>>) src(%dma_wait3A_48 : memref<32x512xi32, #tpu.memory_space<hbm>>) dst(%arg8 : memref<32x512xi32, #tpu.memory_space<vmem>>)
      %dma_wait3A_49 = arith.constant 0 : i32
      %dma_wait3A_50 = tpu.memref_slice %arg4[%multiple_of3A_40, %dma_wait3A_49] : memref<16384x512xi8, #tpu.memory_space<hbm>> -> memref<32x512xi8, #tpu.memory_space<hbm>>
      %dma_wait3A_51 = arith.constant 0 : i32
      %dma_wait3A_52 = tpu.memref_slice %arg4[%multiple_of3A_40, %dma_wait3A_51] : memref<16384x512xi8, #tpu.memory_space<hbm>> -> memref<32x512xi8, #tpu.memory_space<hbm>>
      tpu.wait_dma2 semaphore(%arg12 : memref<!tpu.dma_semaphore, #tpu.memory_space<semaphore_mem>>) src(%dma_wait3A_52 : memref<32x512xi8, #tpu.memory_space<hbm>>) dst(%arg10 : memref<32x512xi8, #tpu.memory_space<vmem>>)
      %gt3A = arith.constant 0 : i32
      %gt3A_53 = arith.cmpi sgt, %scan3A_34, %gt3A : i32
      %convert_element_type3A = arith.extui %gt3A_53 : i1 to i32
      %cond3A = arith.constant 0 : i32
      %cond3A_54 = arith.cmpi ne, %convert_element_type3A, %cond3A : i32
      scf.if %cond3A_54 {
        %sub3A = arith.constant 2 : i32
        %sub3A_123 = arith.subi %mul3A_36, %sub3A : i32
        %mul3A_124 = arith.constant 32 : i32
        %mul3A_125 = arith.muli %sub3A_123, %mul3A_124 : i32
        %add3A_126 = arith.addi %mul3A_2, %mul3A_125 : i32
        %multiple_of3A_127 = tpu.assume_multiple %add3A_126, 32 : i32
        %dma_wait3A_128 = arith.constant 0 : i32
        %dma_wait3A_129 = tpu.memref_slice %arg5[%multiple_of3A_127, %dma_wait3A_128] : memref<16384x512xi32, #tpu.memory_space<hbm>> -> memref<32x512xi32, #tpu.memory_space<hbm>>
        %dma_wait3A_130 = arith.constant 0 : i32
        %dma_wait3A_131 = tpu.memref_slice %arg5[%multiple_of3A_127, %dma_wait3A_130] : memref<16384x512xi32, #tpu.memory_space<hbm>> -> memref<32x512xi32, #tpu.memory_space<hbm>>
        tpu.wait_dma2 semaphore(%arg14 : memref<!tpu.dma_semaphore, #tpu.memory_space<semaphore_mem>>) src(%arg6 : memref<32x512xi32, #tpu.memory_space<vmem>>) dst(%dma_wait3A_131 : memref<32x512xi32, #tpu.memory_space<hbm>>)
      } else {
      }
      %add3A_55 = arith.constant 1 : i32
      %add3A_56 = arith.addi %mul3A_36, %add3A_55 : i32
      %mul3A_57 = arith.constant 32 : i32
      %mul3A_58 = arith.muli %add3A_56, %mul3A_57 : i32
      %add3A_59 = arith.addi %mul3A_2, %mul3A_58 : i32
      %multiple_of3A_60 = tpu.assume_multiple %add3A_59, 32 : i32
      %dma_start3A_61 = arith.constant 0 : i32
      %dma_start3A_62 = tpu.memref_slice %arg2[%multiple_of3A_60, %dma_start3A_61] : memref<16384x512xi32, #tpu.memory_space<hbm>> -> memref<32x512xi32, #tpu.memory_space<hbm>>
      %dma_start3A_63 = arith.constant 0 : i32
      %dma_start3A_64 = tpu.memref_slice %arg2[%multiple_of3A_60, %dma_start3A_63] : memref<16384x512xi32, #tpu.memory_space<hbm>> -> memref<32x512xi32, #tpu.memory_space<hbm>>
      tpu.enqueue_dma source(%dma_start3A_64 : memref<32x512xi32, #tpu.memory_space<hbm>>) target(%arg7 : memref<32x512xi32, #tpu.memory_space<vmem>>) target_semaphore(%arg13 : memref<!tpu.dma_semaphore, #tpu.memory_space<semaphore_mem>>)
      %dma_start3A_65 = arith.constant 0 : i32
      %dma_start3A_66 = tpu.memref_slice %arg3[%multiple_of3A_60, %dma_start3A_65] : memref<16384x512xi32, #tpu.memory_space<hbm>> -> memref<32x512xi32, #tpu.memory_space<hbm>>
      %dma_start3A_67 = arith.constant 0 : i32
      %dma_start3A_68 = tpu.memref_slice %arg3[%multiple_of3A_60, %dma_start3A_67] : memref<16384x512xi32, #tpu.memory_space<hbm>> -> memref<32x512xi32, #tpu.memory_space<hbm>>
      tpu.enqueue_dma source(%dma_start3A_68 : memref<32x512xi32, #tpu.memory_space<hbm>>) target(%arg9 : memref<32x512xi32, #tpu.memory_space<vmem>>) target_semaphore(%arg13 : memref<!tpu.dma_semaphore, #tpu.memory_space<semaphore_mem>>)
      %dma_start3A_69 = arith.constant 0 : i32
      %dma_start3A_70 = tpu.memref_slice %arg4[%multiple_of3A_60, %dma_start3A_69] : memref<16384x512xi8, #tpu.memory_space<hbm>> -> memref<32x512xi8, #tpu.memory_space<hbm>>
      %dma_start3A_71 = arith.constant 0 : i32
      %dma_start3A_72 = tpu.memref_slice %arg4[%multiple_of3A_60, %dma_start3A_71] : memref<16384x512xi8, #tpu.memory_space<hbm>> -> memref<32x512xi8, #tpu.memory_space<hbm>>
      tpu.enqueue_dma source(%dma_start3A_72 : memref<32x512xi8, #tpu.memory_space<hbm>>) target(%arg11 : memref<32x512xi8, #tpu.memory_space<vmem>>) target_semaphore(%arg13 : memref<!tpu.dma_semaphore, #tpu.memory_space<semaphore_mem>>)
      %parallel_loop3A = arith.constant 0 : i32
      %parallel_loop3A_73 = arith.constant 256 : i32
      %parallel_loop3A_74 = arith.constant 1 : i32
      scf.for %parallel_loop3A_123 = %parallel_loop3A to %parallel_loop3A_73 step %parallel_loop3A_74  : i32 {
        %parallel_loop3A_124 = arith.constant 5 : i32
        %parallel_loop3A_125 = arith.shrsi %parallel_loop3A_123, %parallel_loop3A_124 : i32
        %parallel_loop3A_126 = arith.constant 31 : i32
        %parallel_loop3A_127 = arith.andi %parallel_loop3A_123, %parallel_loop3A_126 : i32
        %parallel_loop3A_128 = arith.constant 16 : i32
        %parallel_loop3A_129 = arith.muli %parallel_loop3A_127, %parallel_loop3A_128 : i32
        %parallel_loop3A_130 = tpu.memref_bitcast %arg10 : memref<32x512xi8, #tpu.memory_space<vmem>> -> memref<8x512xi32, #tpu.memory_space<vmem>>
        %parallel_loop3A_131 = arith.index_cast %parallel_loop3A_125 : i32 to index
        %parallel_loop3A_132 = arith.index_cast %parallel_loop3A_129 : i32 to index
        %parallel_loop3A_133 = tpu.vector_load %parallel_loop3A_130[%parallel_loop3A_131, %parallel_loop3A_132] {strides = array<i32>} : memref<8x512xi32, #tpu.memory_space<vmem>>, vector<1x16xi32>,
        %parallel_loop3A_134 = vector.shape_cast %parallel_loop3A_133 : vector<1x16xi32> to vector<16xi32>
        %parallel_loop3A_135 = arith.constant 4 : i32
        %parallel_loop3A_136 = arith.muli %parallel_loop3A_125, %parallel_loop3A_135 : i32
        %parallel_loop3A_137 = arith.constant 0 : i32
        %parallel_loop3A_138 = arith.addi %parallel_loop3A_136, %parallel_loop3A_137 : i32
        %parallel_loop3A_139 = arith.constant 0 : i32
        %parallel_loop3A_140 = vector.broadcast %parallel_loop3A_139 : i32 to vector<16xi32>
        %parallel_loop3A_141 = arith.shrui %parallel_loop3A_134, %parallel_loop3A_140 : vector<16xi32>
        %parallel_loop3A_142 = arith.constant 255 : i32
        %parallel_loop3A_143 = vector.broadcast %parallel_loop3A_142 : i32 to vector<16xi32>
        %parallel_loop3A_144 = arith.andi %parallel_loop3A_141, %parallel_loop3A_143 : vector<16xi32>
        %parallel_loop3A_145 = arith.index_cast %parallel_loop3A_138 : i32 to index
        %parallel_loop3A_146 = arith.index_cast %parallel_loop3A_129 : i32 to index
        %parallel_loop3A_147 = tpu.vector_load %arg6[%parallel_loop3A_145, %parallel_loop3A_146] {strides = array<i32>} : memref<32x512xi32, #tpu.memory_space<vmem>>, vector<1x16xi32>,
        %parallel_loop3A_148 = vector.shape_cast %parallel_loop3A_147 : vector<1x16xi32> to vector<16xi32>
        %parallel_loop3A_149 = arith.index_cast %parallel_loop3A_138 : i32 to index
        %parallel_loop3A_150 = arith.index_cast %parallel_loop3A_129 : i32 to index
        %parallel_loop3A_151 = tpu.vector_load %arg8[%parallel_loop3A_149, %parallel_loop3A_150] {strides = array<i32>} : memref<32x512xi32, #tpu.memory_space<vmem>>, vector<1x16xi32>,
        %parallel_loop3A_152 = vector.shape_cast %parallel_loop3A_151 : vector<1x16xi32> to vector<16xi32>
        %parallel_loop3A_153 = arith.constant 0 : i32
        %parallel_loop3A_154 = vector.broadcast %parallel_loop3A_153 : i32 to vector<16xi32>
        %parallel_loop3A_155 = arith.cmpi ne, %parallel_loop3A_144, %parallel_loop3A_154 : vector<16xi32>
        %parallel_loop3A_156 = arith.select %parallel_loop3A_155, %parallel_loop3A_152, %parallel_loop3A_148 : vector<16xi1>, vector<16xi32>
        %parallel_loop3A_157 = arith.index_cast %parallel_loop3A_138 : i32 to index
        %parallel_loop3A_158 = arith.index_cast %parallel_loop3A_129 : i32 to index
        %parallel_loop3A_159 = tpu.vector_load %arg6[%parallel_loop3A_157, %parallel_loop3A_158] {strides = array<i32>} : memref<32x512xi32, #tpu.memory_space<vmem>>, vector<1x16xi32>,
        %parallel_loop3A_160 = vector.shape_cast %parallel_loop3A_159 : vector<1x16xi32> to vector<16xi32>
        %parallel_loop3A_161 = vector.shape_cast %parallel_loop3A_156 : vector<16xi32> to vector<1x16xi32>
        tpu.vector_store %arg6[%parallel_loop3A_157, %parallel_loop3A_158], %parallel_loop3A_161 {strides = array<i32>} : memref<32x512xi32, #tpu.memory_space<vmem>>, vector<1x16xi32>,
        %parallel_loop3A_162 = arith.constant 4 : i32
        %parallel_loop3A_163 = arith.muli %parallel_loop3A_125, %parallel_loop3A_162 : i32
        %parallel_loop3A_164 = arith.constant 1 : i32
        %parallel_loop3A_165 = arith.addi %parallel_loop3A_163, %parallel_loop3A_164 : i32
        %parallel_loop3A_166 = arith.constant 8 : i32
        %parallel_loop3A_167 = vector.broadcast %parallel_loop3A_166 : i32 to vector<16xi32>
        %parallel_loop3A_168 = arith.shrui %parallel_loop3A_134, %parallel_loop3A_167 : vector<16xi32>
        %parallel_loop3A_169 = arith.constant 255 : i32
        %parallel_loop3A_170 = vector.broadcast %parallel_loop3A_169 : i32 to vector<16xi32>
        %parallel_loop3A_171 = arith.andi %parallel_loop3A_168, %parallel_loop3A_170 : vector<16xi32>
        %parallel_loop3A_172 = arith.index_cast %parallel_loop3A_165 : i32 to index
        %parallel_loop3A_173 = arith.index_cast %parallel_loop3A_129 : i32 to index
        %parallel_loop3A_174 = tpu.vector_load %arg6[%parallel_loop3A_172, %parallel_loop3A_173] {strides = array<i32>} : memref<32x512xi32, #tpu.memory_space<vmem>>, vector<1x16xi32>,
        %parallel_loop3A_175 = vector.shape_cast %parallel_loop3A_174 : vector<1x16xi32> to vector<16xi32>
        %parallel_loop3A_176 = arith.index_cast %parallel_loop3A_165 : i32 to index
        %parallel_loop3A_177 = arith.index_cast %parallel_loop3A_129 : i32 to index
        %parallel_loop3A_178 = tpu.vector_load %arg8[%parallel_loop3A_176, %parallel_loop3A_177] {strides = array<i32>} : memref<32x512xi32, #tpu.memory_space<vmem>>, vector<1x16xi32>,
        %parallel_loop3A_179 = vector.shape_cast %parallel_loop3A_178 : vector<1x16xi32> to vector<16xi32>
        %parallel_loop3A_180 = arith.constant 0 : i32
        %parallel_loop3A_181 = vector.broadcast %parallel_loop3A_180 : i32 to vector<16xi32>
        %parallel_loop3A_182 = arith.cmpi ne, %parallel_loop3A_171, %parallel_loop3A_181 : vector<16xi32>
        %parallel_loop3A_183 = arith.select %parallel_loop3A_182, %parallel_loop3A_179, %parallel_loop3A_175 : vector<16xi1>, vector<16xi32>
        %parallel_loop3A_184 = arith.index_cast %parallel_loop3A_165 : i32 to index
        %parallel_loop3A_185 = arith.index_cast %parallel_loop3A_129 : i32 to index
        %parallel_loop3A_186 = tpu.vector_load %arg6[%parallel_loop3A_184, %parallel_loop3A_185] {strides = array<i32>} : memref<32x512xi32, #tpu.memory_space<vmem>>, vector<1x16xi32>,
        %parallel_loop3A_187 = vector.shape_cast %parallel_loop3A_186 : vector<1x16xi32> to vector<16xi32>
        %parallel_loop3A_188 = vector.shape_cast %parallel_loop3A_183 : vector<16xi32> to vector<1x16xi32>
        tpu.vector_store %arg6[%parallel_loop3A_184, %parallel_loop3A_185], %parallel_loop3A_188 {strides = array<i32>} : memref<32x512xi32, #tpu.memory_space<vmem>>, vector<1x16xi32>,
        %parallel_loop3A_189 = arith.constant 4 : i32
        %parallel_loop3A_190 = arith.muli %parallel_loop3A_125, %parallel_loop3A_189 : i32
        %parallel_loop3A_191 = arith.constant 2 : i32
        %parallel_loop3A_192 = arith.addi %parallel_loop3A_190, %parallel_loop3A_191 : i32
        %parallel_loop3A_193 = arith.constant 16 : i32
        %parallel_loop3A_194 = vector.broadcast %parallel_loop3A_193 : i32 to vector<16xi32>
        %parallel_loop3A_195 = arith.shrui %parallel_loop3A_134, %parallel_loop3A_194 : vector<16xi32>
        %parallel_loop3A_196 = arith.constant 255 : i32
        %parallel_loop3A_197 = vector.broadcast %parallel_loop3A_196 : i32 to vector<16xi32>
        %parallel_loop3A_198 = arith.andi %parallel_loop3A_195, %parallel_loop3A_197 : vector<16xi32>
        %parallel_loop3A_199 = arith.index_cast %parallel_loop3A_192 : i32 to index
        %parallel_loop3A_200 = arith.index_cast %parallel_loop3A_129 : i32 to index
        %parallel_loop3A_201 = tpu.vector_load %arg6[%parallel_loop3A_199, %parallel_loop3A_200] {strides = array<i32>} : memref<32x512xi32, #tpu.memory_space<vmem>>, vector<1x16xi32>,
        %parallel_loop3A_202 = vector.shape_cast %parallel_loop3A_201 : vector<1x16xi32> to vector<16xi32>
        %parallel_loop3A_203 = arith.index_cast %parallel_loop3A_192 : i32 to index
        %parallel_loop3A_204 = arith.index_cast %parallel_loop3A_129 : i32 to index
        %parallel_loop3A_205 = tpu.vector_load %arg8[%parallel_loop3A_203, %parallel_loop3A_204] {strides = array<i32>} : memref<32x512xi32, #tpu.memory_space<vmem>>, vector<1x16xi32>,
        %parallel_loop3A_206 = vector.shape_cast %parallel_loop3A_205 : vector<1x16xi32> to vector<16xi32>
        %parallel_loop3A_207 = arith.constant 0 : i32
        %parallel_loop3A_208 = vector.broadcast %parallel_loop3A_207 : i32 to vector<16xi32>
        %parallel_loop3A_209 = arith.cmpi ne, %parallel_loop3A_198, %parallel_loop3A_208 : vector<16xi32>
        %parallel_loop3A_210 = arith.select %parallel_loop3A_209, %parallel_loop3A_206, %parallel_loop3A_202 : vector<16xi1>, vector<16xi32>
        %parallel_loop3A_211 = arith.index_cast %parallel_loop3A_192 : i32 to index
        %parallel_loop3A_212 = arith.index_cast %parallel_loop3A_129 : i32 to index
        %parallel_loop3A_213 = tpu.vector_load %arg6[%parallel_loop3A_211, %parallel_loop3A_212] {strides = array<i32>} : memref<32x512xi32, #tpu.memory_space<vmem>>, vector<1x16xi32>,
        %parallel_loop3A_214 = vector.shape_cast %parallel_loop3A_213 : vector<1x16xi32> to vector<16xi32>
        %parallel_loop3A_215 = vector.shape_cast %parallel_loop3A_210 : vector<16xi32> to vector<1x16xi32>
        tpu.vector_store %arg6[%parallel_loop3A_211, %parallel_loop3A_212], %parallel_loop3A_215 {strides = array<i32>} : memref<32x512xi32, #tpu.memory_space<vmem>>, vector<1x16xi32>,
        %parallel_loop3A_216 = arith.constant 4 : i32
        %parallel_loop3A_217 = arith.muli %parallel_loop3A_125, %parallel_loop3A_216 : i32
        %parallel_loop3A_218 = arith.constant 3 : i32
        %parallel_loop3A_219 = arith.addi %parallel_loop3A_217, %parallel_loop3A_218 : i32
        %parallel_loop3A_220 = arith.constant 24 : i32
        %parallel_loop3A_221 = vector.broadcast %parallel_loop3A_220 : i32 to vector<16xi32>
        %parallel_loop3A_222 = arith.shrui %parallel_loop3A_134, %parallel_loop3A_221 : vector<16xi32>
        %parallel_loop3A_223 = arith.constant 255 : i32
        %parallel_loop3A_224 = vector.broadcast %parallel_loop3A_223 : i32 to vector<16xi32>
        %parallel_loop3A_225 = arith.andi %parallel_loop3A_222, %parallel_loop3A_224 : vector<16xi32>
        %parallel_loop3A_226 = arith.index_cast %parallel_loop3A_219 : i32 to index
        %parallel_loop3A_227 = arith.index_cast %parallel_loop3A_129 : i32 to index
        %parallel_loop3A_228 = tpu.vector_load %arg6[%parallel_loop3A_226, %parallel_loop3A_227] {strides = array<i32>} : memref<32x512xi32, #tpu.memory_space<vmem>>, vector<1x16xi32>,
        %parallel_loop3A_229 = vector.shape_cast %parallel_loop3A_228 : vector<1x16xi32> to vector<16xi32>
        %parallel_loop3A_230 = arith.index_cast %parallel_loop3A_219 : i32 to index
        %parallel_loop3A_231 = arith.index_cast %parallel_loop3A_129 : i32 to index
        %parallel_loop3A_232 = tpu.vector_load %arg8[%parallel_loop3A_230, %parallel_loop3A_231] {strides = array<i32>} : memref<32x512xi32, #tpu.memory_space<vmem>>, vector<1x16xi32>,
        %parallel_loop3A_233 = vector.shape_cast %parallel_loop3A_232 : vector<1x16xi32> to vector<16xi32>
        %parallel_loop3A_234 = arith.constant 0 : i32
        %parallel_loop3A_235 = vector.broadcast %parallel_loop3A_234 : i32 to vector<16xi32>
        %parallel_loop3A_236 = arith.cmpi ne, %parallel_loop3A_225, %parallel_loop3A_235 : vector<16xi32>
        %parallel_loop3A_237 = arith.select %parallel_loop3A_236, %parallel_loop3A_233, %parallel_loop3A_229 : vector<16xi1>, vector<16xi32>
        %parallel_loop3A_238 = arith.index_cast %parallel_loop3A_219 : i32 to index
        %parallel_loop3A_239 = arith.index_cast %parallel_loop3A_129 : i32 to index
        %parallel_loop3A_240 = tpu.vector_load %arg6[%parallel_loop3A_238, %parallel_loop3A_239] {strides = array<i32>} : memref<32x512xi32, #tpu.memory_space<vmem>>, vector<1x16xi32>,
        %parallel_loop3A_241 = vector.shape_cast %parallel_loop3A_240 : vector<1x16xi32> to vector<16xi32>
        %parallel_loop3A_242 = vector.shape_cast %parallel_loop3A_237 : vector<16xi32> to vector<1x16xi32>
        tpu.vector_store %arg6[%parallel_loop3A_238, %parallel_loop3A_239], %parallel_loop3A_242 {strides = array<i32>} : memref<32x512xi32, #tpu.memory_space<vmem>>, vector<1x16xi32>,
      } {sc.loop_unroll_factor = 4 : i64, sc.parallel_access}
      %mul3A_75 = arith.constant 32 : i32
      %mul3A_76 = arith.muli %mul3A_36, %mul3A_75 : i32
      %add3A_77 = arith.addi %mul3A_2, %mul3A_76 : i32
      %multiple_of3A_78 = tpu.assume_multiple %add3A_77, 32 : i32
      %dma_start3A_79 = arith.constant 0 : i32
      %dma_start3A_80 = tpu.memref_slice %arg5[%multiple_of3A_78, %dma_start3A_79] : memref<16384x512xi32, #tpu.memory_space<hbm>> -> memref<32x512xi32, #tpu.memory_space<hbm>>
      %dma_start3A_81 = arith.constant 0 : i32
      %dma_start3A_82 = tpu.memref_slice %arg5[%multiple_of3A_78, %dma_start3A_81] : memref<16384x512xi32, #tpu.memory_space<hbm>> -> memref<32x512xi32, #tpu.memory_space<hbm>>
      tpu.enqueue_dma source(%arg6 : memref<32x512xi32, #tpu.memory_space<vmem>>) target(%dma_start3A_82 : memref<32x512xi32, #tpu.memory_space<hbm>>) target_semaphore(%arg14 : memref<!tpu.dma_semaphore, #tpu.memory_space<semaphore_mem>>)
      %add3A_83 = arith.constant 1 : i32
      %add3A_84 = arith.addi %mul3A_36, %add3A_83 : i32
      %mul3A_85 = arith.constant 32 : i32
      %mul3A_86 = arith.muli %add3A_84, %mul3A_85 : i32
      %add3A_87 = arith.addi %mul3A_2, %mul3A_86 : i32
      %multiple_of3A_88 = tpu.assume_multiple %add3A_87, 32 : i32
      %dma_wait3A_89 = arith.constant 0 : i32
      %dma_wait3A_90 = tpu.memref_slice %arg2[%multiple_of3A_88, %dma_wait3A_89] : memref<16384x512xi32, #tpu.memory_space<hbm>> -> memref<32x512xi32, #tpu.memory_space<hbm>>
      %dma_wait3A_91 = arith.constant 0 : i32
      %dma_wait3A_92 = tpu.memref_slice %arg2[%multiple_of3A_88, %dma_wait3A_91] : memref<16384x512xi32, #tpu.memory_space<hbm>> -> memref<32x512xi32, #tpu.memory_space<hbm>>
      tpu.wait_dma2 semaphore(%arg13 : memref<!tpu.dma_semaphore, #tpu.memory_space<semaphore_mem>>) src(%dma_wait3A_92 : memref<32x512xi32, #tpu.memory_space<hbm>>) dst(%arg7 : memref<32x512xi32, #tpu.memory_space<vmem>>)
      %dma_wait3A_93 = arith.constant 0 : i32
      %dma_wait3A_94 = tpu.memref_slice %arg3[%multiple_of3A_88, %dma_wait3A_93] : memref<16384x512xi32, #tpu.memory_space<hbm>> -> memref<32x512xi32, #tpu.memory_space<hbm>>
      %dma_wait3A_95 = arith.constant 0 : i32
      %dma_wait3A_96 = tpu.memref_slice %arg3[%multiple_of3A_88, %dma_wait3A_95] : memref<16384x512xi32, #tpu.memory_space<hbm>> -> memref<32x512xi32, #tpu.memory_space<hbm>>
      tpu.wait_dma2 semaphore(%arg13 : memref<!tpu.dma_semaphore, #tpu.memory_space<semaphore_mem>>) src(%dma_wait3A_96 : memref<32x512xi32, #tpu.memory_space<hbm>>) dst(%arg9 : memref<32x512xi32, #tpu.memory_space<vmem>>)
      %dma_wait3A_97 = arith.constant 0 : i32
      %dma_wait3A_98 = tpu.memref_slice %arg4[%multiple_of3A_88, %dma_wait3A_97] : memref<16384x512xi8, #tpu.memory_space<hbm>> -> memref<32x512xi8, #tpu.memory_space<hbm>>
      %dma_wait3A_99 = arith.constant 0 : i32
      %dma_wait3A_100 = tpu.memref_slice %arg4[%multiple_of3A_88, %dma_wait3A_99] : memref<16384x512xi8, #tpu.memory_space<hbm>> -> memref<32x512xi8, #tpu.memory_space<hbm>>
      tpu.wait_dma2 semaphore(%arg13 : memref<!tpu.dma_semaphore, #tpu.memory_space<semaphore_mem>>) src(%dma_wait3A_100 : memref<32x512xi8, #tpu.memory_space<hbm>>) dst(%arg11 : memref<32x512xi8, #tpu.memory_space<vmem>>)
      %gt3A_101 = arith.constant 0 : i32
      %gt3A_102 = arith.cmpi sgt, %scan3A_34, %gt3A_101 : i32
      %convert_element_type3A_103 = arith.extui %gt3A_102 : i1 to i32
      %cond3A_104 = arith.constant 0 : i32
      %cond3A_105 = arith.cmpi ne, %convert_element_type3A_103, %cond3A_104 : i32
      scf.if %cond3A_105 {
        %sub3A = arith.constant 1 : i32
        %sub3A_123 = arith.subi %mul3A_36, %sub3A : i32
        %mul3A_124 = arith.constant 32 : i32
        %mul3A_125 = arith.muli %sub3A_123, %mul3A_124 : i32
        %add3A_126 = arith.addi %mul3A_2, %mul3A_125 : i32
        %multiple_of3A_127 = tpu.assume_multiple %add3A_126, 32 : i32
        %dma_wait3A_128 = arith.constant 0 : i32
        %dma_wait3A_129 = tpu.memref_slice %arg5[%multiple_of3A_127, %dma_wait3A_128] : memref<16384x512xi32, #tpu.memory_space<hbm>> -> memref<32x512xi32, #tpu.memory_space<hbm>>
        %dma_wait3A_130 = arith.constant 0 : i32
        %dma_wait3A_131 = tpu.memref_slice %arg5[%multiple_of3A_127, %dma_wait3A_130] : memref<16384x512xi32, #tpu.memory_space<hbm>> -> memref<32x512xi32, #tpu.memory_space<hbm>>
        tpu.wait_dma2 semaphore(%arg15 : memref<!tpu.dma_semaphore, #tpu.memory_space<semaphore_mem>>) src(%arg7 : memref<32x512xi32, #tpu.memory_space<vmem>>) dst(%dma_wait3A_131 : memref<32x512xi32, #tpu.memory_space<hbm>>)
      } else {
      }
      %lt3A = arith.constant 7 : i32
      %lt3A_106 = arith.cmpi slt, %scan3A_34, %lt3A : i32
      %convert_element_type3A_107 = arith.extui %lt3A_106 : i1 to i32
      %cond3A_108 = arith.constant 0 : i32
      %cond3A_109 = arith.cmpi ne, %convert_element_type3A_107, %cond3A_108 : i32
      scf.if %cond3A_109 {
        %add3A_123 = arith.constant 2 : i32
        %add3A_124 = arith.addi %mul3A_36, %add3A_123 : i32
        %mul3A_125 = arith.constant 32 : i32
        %mul3A_126 = arith.muli %add3A_124, %mul3A_125 : i32
        %add3A_127 = arith.addi %mul3A_2, %mul3A_126 : i32
        %multiple_of3A_128 = tpu.assume_multiple %add3A_127, 32 : i32
        %dma_start3A_129 = arith.constant 0 : i32
        %dma_start3A_130 = tpu.memref_slice %arg2[%multiple_of3A_128, %dma_start3A_129] : memref<16384x512xi32, #tpu.memory_space<hbm>> -> memref<32x512xi32, #tpu.memory_space<hbm>>
        %dma_start3A_131 = arith.constant 0 : i32
        %dma_start3A_132 = tpu.memref_slice %arg2[%multiple_of3A_128, %dma_start3A_131] : memref<16384x512xi32, #tpu.memory_space<hbm>> -> memref<32x512xi32, #tpu.memory_space<hbm>>
        tpu.enqueue_dma source(%dma_start3A_132 : memref<32x512xi32, #tpu.memory_space<hbm>>) target(%arg6 : memref<32x512xi32, #tpu.memory_space<vmem>>) target_semaphore(%arg12 : memref<!tpu.dma_semaphore, #tpu.memory_space<semaphore_mem>>)
        %dma_start3A_133 = arith.constant 0 : i32
        %dma_start3A_134 = tpu.memref_slice %arg3[%multiple_of3A_128, %dma_start3A_133] : memref<16384x512xi32, #tpu.memory_space<hbm>> -> memref<32x512xi32, #tpu.memory_space<hbm>>
        %dma_start3A_135 = arith.constant 0 : i32
        %dma_start3A_136 = tpu.memref_slice %arg3[%multiple_of3A_128, %dma_start3A_135] : memref<16384x512xi32, #tpu.memory_space<hbm>> -> memref<32x512xi32, #tpu.memory_space<hbm>>
        tpu.enqueue_dma source(%dma_start3A_136 : memref<32x512xi32, #tpu.memory_space<hbm>>) target(%arg8 : memref<32x512xi32, #tpu.memory_space<vmem>>) target_semaphore(%arg12 : memref<!tpu.dma_semaphore, #tpu.memory_space<semaphore_mem>>)
        %dma_start3A_137 = arith.constant 0 : i32
        %dma_start3A_138 = tpu.memref_slice %arg4[%multiple_of3A_128, %dma_start3A_137] : memref<16384x512xi8, #tpu.memory_space<hbm>> -> memref<32x512xi8, #tpu.memory_space<hbm>>
        %dma_start3A_139 = arith.constant 0 : i32
        %dma_start3A_140 = tpu.memref_slice %arg4[%multiple_of3A_128, %dma_start3A_139] : memref<16384x512xi8, #tpu.memory_space<hbm>> -> memref<32x512xi8, #tpu.memory_space<hbm>>
        tpu.enqueue_dma source(%dma_start3A_140 : memref<32x512xi8, #tpu.memory_space<hbm>>) target(%arg10 : memref<32x512xi8, #tpu.memory_space<vmem>>) target_semaphore(%arg12 : memref<!tpu.dma_semaphore, #tpu.memory_space<semaphore_mem>>)
      } else {
      }
      %parallel_loop3A_110 = arith.constant 0 : i32
      %parallel_loop3A_111 = arith.constant 256 : i32
      %parallel_loop3A_112 = arith.constant 1 : i32
      scf.for %parallel_loop3A_123 = %parallel_loop3A_110 to %parallel_loop3A_111 step %parallel_loop3A_112  : i32 {
        %parallel_loop3A_124 = arith.constant 5 : i32
        %parallel_loop3A_125 = arith.shrsi %parallel_loop3A_123, %parallel_loop3A_124 : i32
        %parallel_loop3A_126 = arith.constant 31 : i32
        %parallel_loop3A_127 = arith.andi %parallel_loop3A_123, %parallel_loop3A_126 : i32
        %parallel_loop3A_128 = arith.constant 16 : i32
        %parallel_loop3A_129 = arith.muli %parallel_loop3A_127, %parallel_loop3A_128 : i32
        %parallel_loop3A_130 = tpu.memref_bitcast %arg11 : memref<32x512xi8, #tpu.memory_space<vmem>> -> memref<8x512xi32, #tpu.memory_space<vmem>>
        %parallel_loop3A_131 = arith.index_cast %parallel_loop3A_125 : i32 to index
        %parallel_loop3A_132 = arith.index_cast %parallel_loop3A_129 : i32 to index
        %parallel_loop3A_133 = tpu.vector_load %parallel_loop3A_130[%parallel_loop3A_131, %parallel_loop3A_132] {strides = array<i32>} : memref<8x512xi32, #tpu.memory_space<vmem>>, vector<1x16xi32>,
        %parallel_loop3A_134 = vector.shape_cast %parallel_loop3A_133 : vector<1x16xi32> to vector<16xi32>
        %parallel_loop3A_135 = arith.constant 4 : i32
        %parallel_loop3A_136 = arith.muli %parallel_loop3A_125, %parallel_loop3A_135 : i32
        %parallel_loop3A_137 = arith.constant 0 : i32
        %parallel_loop3A_138 = arith.addi %parallel_loop3A_136, %parallel_loop3A_137 : i32
        %parallel_loop3A_139 = arith.constant 0 : i32
        %parallel_loop3A_140 = vector.broadcast %parallel_loop3A_139 : i32 to vector<16xi32>
        %parallel_loop3A_141 = arith.shrui %parallel_loop3A_134, %parallel_loop3A_140 : vector<16xi32>
        %parallel_loop3A_142 = arith.constant 255 : i32
        %parallel_loop3A_143 = vector.broadcast %parallel_loop3A_142 : i32 to vector<16xi32>
        %parallel_loop3A_144 = arith.andi %parallel_loop3A_141, %parallel_loop3A_143 : vector<16xi32>
        %parallel_loop3A_145 = arith.index_cast %parallel_loop3A_138 : i32 to index
        %parallel_loop3A_146 = arith.index_cast %parallel_loop3A_129 : i32 to index
        %parallel_loop3A_147 = tpu.vector_load %arg7[%parallel_loop3A_145, %parallel_loop3A_146] {strides = array<i32>} : memref<32x512xi32, #tpu.memory_space<vmem>>, vector<1x16xi32>,
        %parallel_loop3A_148 = vector.shape_cast %parallel_loop3A_147 : vector<1x16xi32> to vector<16xi32>
        %parallel_loop3A_149 = arith.index_cast %parallel_loop3A_138 : i32 to index
        %parallel_loop3A_150 = arith.index_cast %parallel_loop3A_129 : i32 to index
        %parallel_loop3A_151 = tpu.vector_load %arg9[%parallel_loop3A_149, %parallel_loop3A_150] {strides = array<i32>} : memref<32x512xi32, #tpu.memory_space<vmem>>, vector<1x16xi32>,
        %parallel_loop3A_152 = vector.shape_cast %parallel_loop3A_151 : vector<1x16xi32> to vector<16xi32>
        %parallel_loop3A_153 = arith.constant 0 : i32
        %parallel_loop3A_154 = vector.broadcast %parallel_loop3A_153 : i32 to vector<16xi32>
        %parallel_loop3A_155 = arith.cmpi ne, %parallel_loop3A_144, %parallel_loop3A_154 : vector<16xi32>
        %parallel_loop3A_156 = arith.select %parallel_loop3A_155, %parallel_loop3A_152, %parallel_loop3A_148 : vector<16xi1>, vector<16xi32>
        %parallel_loop3A_157 = arith.index_cast %parallel_loop3A_138 : i32 to index
        %parallel_loop3A_158 = arith.index_cast %parallel_loop3A_129 : i32 to index
        %parallel_loop3A_159 = tpu.vector_load %arg7[%parallel_loop3A_157, %parallel_loop3A_158] {strides = array<i32>} : memref<32x512xi32, #tpu.memory_space<vmem>>, vector<1x16xi32>,
        %parallel_loop3A_160 = vector.shape_cast %parallel_loop3A_159 : vector<1x16xi32> to vector<16xi32>
        %parallel_loop3A_161 = vector.shape_cast %parallel_loop3A_156 : vector<16xi32> to vector<1x16xi32>
        tpu.vector_store %arg7[%parallel_loop3A_157, %parallel_loop3A_158], %parallel_loop3A_161 {strides = array<i32>} : memref<32x512xi32, #tpu.memory_space<vmem>>, vector<1x16xi32>,
        %parallel_loop3A_162 = arith.constant 4 : i32
        %parallel_loop3A_163 = arith.muli %parallel_loop3A_125, %parallel_loop3A_162 : i32
        %parallel_loop3A_164 = arith.constant 1 : i32
        %parallel_loop3A_165 = arith.addi %parallel_loop3A_163, %parallel_loop3A_164 : i32
        %parallel_loop3A_166 = arith.constant 8 : i32
        %parallel_loop3A_167 = vector.broadcast %parallel_loop3A_166 : i32 to vector<16xi32>
        %parallel_loop3A_168 = arith.shrui %parallel_loop3A_134, %parallel_loop3A_167 : vector<16xi32>
        %parallel_loop3A_169 = arith.constant 255 : i32
        %parallel_loop3A_170 = vector.broadcast %parallel_loop3A_169 : i32 to vector<16xi32>
        %parallel_loop3A_171 = arith.andi %parallel_loop3A_168, %parallel_loop3A_170 : vector<16xi32>
        %parallel_loop3A_172 = arith.index_cast %parallel_loop3A_165 : i32 to index
        %parallel_loop3A_173 = arith.index_cast %parallel_loop3A_129 : i32 to index
        %parallel_loop3A_174 = tpu.vector_load %arg7[%parallel_loop3A_172, %parallel_loop3A_173] {strides = array<i32>} : memref<32x512xi32, #tpu.memory_space<vmem>>, vector<1x16xi32>,
        %parallel_loop3A_175 = vector.shape_cast %parallel_loop3A_174 : vector<1x16xi32> to vector<16xi32>
        %parallel_loop3A_176 = arith.index_cast %parallel_loop3A_165 : i32 to index
        %parallel_loop3A_177 = arith.index_cast %parallel_loop3A_129 : i32 to index
        %parallel_loop3A_178 = tpu.vector_load %arg9[%parallel_loop3A_176, %parallel_loop3A_177] {strides = array<i32>} : memref<32x512xi32, #tpu.memory_space<vmem>>, vector<1x16xi32>,
        %parallel_loop3A_179 = vector.shape_cast %parallel_loop3A_178 : vector<1x16xi32> to vector<16xi32>
        %parallel_loop3A_180 = arith.constant 0 : i32
        %parallel_loop3A_181 = vector.broadcast %parallel_loop3A_180 : i32 to vector<16xi32>
        %parallel_loop3A_182 = arith.cmpi ne, %parallel_loop3A_171, %parallel_loop3A_181 : vector<16xi32>
        %parallel_loop3A_183 = arith.select %parallel_loop3A_182, %parallel_loop3A_179, %parallel_loop3A_175 : vector<16xi1>, vector<16xi32>
        %parallel_loop3A_184 = arith.index_cast %parallel_loop3A_165 : i32 to index
        %parallel_loop3A_185 = arith.index_cast %parallel_loop3A_129 : i32 to index
        %parallel_loop3A_186 = tpu.vector_load %arg7[%parallel_loop3A_184, %parallel_loop3A_185] {strides = array<i32>} : memref<32x512xi32, #tpu.memory_space<vmem>>, vector<1x16xi32>,
        %parallel_loop3A_187 = vector.shape_cast %parallel_loop3A_186 : vector<1x16xi32> to vector<16xi32>
        %parallel_loop3A_188 = vector.shape_cast %parallel_loop3A_183 : vector<16xi32> to vector<1x16xi32>
        tpu.vector_store %arg7[%parallel_loop3A_184, %parallel_loop3A_185], %parallel_loop3A_188 {strides = array<i32>} : memref<32x512xi32, #tpu.memory_space<vmem>>, vector<1x16xi32>,
        %parallel_loop3A_189 = arith.constant 4 : i32
        %parallel_loop3A_190 = arith.muli %parallel_loop3A_125, %parallel_loop3A_189 : i32
        %parallel_loop3A_191 = arith.constant 2 : i32
        %parallel_loop3A_192 = arith.addi %parallel_loop3A_190, %parallel_loop3A_191 : i32
        %parallel_loop3A_193 = arith.constant 16 : i32
        %parallel_loop3A_194 = vector.broadcast %parallel_loop3A_193 : i32 to vector<16xi32>
        %parallel_loop3A_195 = arith.shrui %parallel_loop3A_134, %parallel_loop3A_194 : vector<16xi32>
        %parallel_loop3A_196 = arith.constant 255 : i32
        %parallel_loop3A_197 = vector.broadcast %parallel_loop3A_196 : i32 to vector<16xi32>
        %parallel_loop3A_198 = arith.andi %parallel_loop3A_195, %parallel_loop3A_197 : vector<16xi32>
        %parallel_loop3A_199 = arith.index_cast %parallel_loop3A_192 : i32 to index
        %parallel_loop3A_200 = arith.index_cast %parallel_loop3A_129 : i32 to index
        %parallel_loop3A_201 = tpu.vector_load %arg7[%parallel_loop3A_199, %parallel_loop3A_200] {strides = array<i32>} : memref<32x512xi32, #tpu.memory_space<vmem>>, vector<1x16xi32>,
        %parallel_loop3A_202 = vector.shape_cast %parallel_loop3A_201 : vector<1x16xi32> to vector<16xi32>
        %parallel_loop3A_203 = arith.index_cast %parallel_loop3A_192 : i32 to index
        %parallel_loop3A_204 = arith.index_cast %parallel_loop3A_129 : i32 to index
        %parallel_loop3A_205 = tpu.vector_load %arg9[%parallel_loop3A_203, %parallel_loop3A_204] {strides = array<i32>} : memref<32x512xi32, #tpu.memory_space<vmem>>, vector<1x16xi32>,
        %parallel_loop3A_206 = vector.shape_cast %parallel_loop3A_205 : vector<1x16xi32> to vector<16xi32>
        %parallel_loop3A_207 = arith.constant 0 : i32
        %parallel_loop3A_208 = vector.broadcast %parallel_loop3A_207 : i32 to vector<16xi32>
        %parallel_loop3A_209 = arith.cmpi ne, %parallel_loop3A_198, %parallel_loop3A_208 : vector<16xi32>
        %parallel_loop3A_210 = arith.select %parallel_loop3A_209, %parallel_loop3A_206, %parallel_loop3A_202 : vector<16xi1>, vector<16xi32>
        %parallel_loop3A_211 = arith.index_cast %parallel_loop3A_192 : i32 to index
        %parallel_loop3A_212 = arith.index_cast %parallel_loop3A_129 : i32 to index
        %parallel_loop3A_213 = tpu.vector_load %arg7[%parallel_loop3A_211, %parallel_loop3A_212] {strides = array<i32>} : memref<32x512xi32, #tpu.memory_space<vmem>>, vector<1x16xi32>,
        %parallel_loop3A_214 = vector.shape_cast %parallel_loop3A_213 : vector<1x16xi32> to vector<16xi32>
        %parallel_loop3A_215 = vector.shape_cast %parallel_loop3A_210 : vector<16xi32> to vector<1x16xi32>
        tpu.vector_store %arg7[%parallel_loop3A_211, %parallel_loop3A_212], %parallel_loop3A_215 {strides = array<i32>} : memref<32x512xi32, #tpu.memory_space<vmem>>, vector<1x16xi32>,
        %parallel_loop3A_216 = arith.constant 4 : i32
        %parallel_loop3A_217 = arith.muli %parallel_loop3A_125, %parallel_loop3A_216 : i32
        %parallel_loop3A_218 = arith.constant 3 : i32
        %parallel_loop3A_219 = arith.addi %parallel_loop3A_217, %parallel_loop3A_218 : i32
        %parallel_loop3A_220 = arith.constant 24 : i32
        %parallel_loop3A_221 = vector.broadcast %parallel_loop3A_220 : i32 to vector<16xi32>
        %parallel_loop3A_222 = arith.shrui %parallel_loop3A_134, %parallel_loop3A_221 : vector<16xi32>
        %parallel_loop3A_223 = arith.constant 255 : i32
        %parallel_loop3A_224 = vector.broadcast %parallel_loop3A_223 : i32 to vector<16xi32>
        %parallel_loop3A_225 = arith.andi %parallel_loop3A_222, %parallel_loop3A_224 : vector<16xi32>
        %parallel_loop3A_226 = arith.index_cast %parallel_loop3A_219 : i32 to index
        %parallel_loop3A_227 = arith.index_cast %parallel_loop3A_129 : i32 to index
        %parallel_loop3A_228 = tpu.vector_load %arg7[%parallel_loop3A_226, %parallel_loop3A_227] {strides = array<i32>} : memref<32x512xi32, #tpu.memory_space<vmem>>, vector<1x16xi32>,
        %parallel_loop3A_229 = vector.shape_cast %parallel_loop3A_228 : vector<1x16xi32> to vector<16xi32>
        %parallel_loop3A_230 = arith.index_cast %parallel_loop3A_219 : i32 to index
        %parallel_loop3A_231 = arith.index_cast %parallel_loop3A_129 : i32 to index
        %parallel_loop3A_232 = tpu.vector_load %arg9[%parallel_loop3A_230, %parallel_loop3A_231] {strides = array<i32>} : memref<32x512xi32, #tpu.memory_space<vmem>>, vector<1x16xi32>,
        %parallel_loop3A_233 = vector.shape_cast %parallel_loop3A_232 : vector<1x16xi32> to vector<16xi32>
        %parallel_loop3A_234 = arith.constant 0 : i32
        %parallel_loop3A_235 = vector.broadcast %parallel_loop3A_234 : i32 to vector<16xi32>
        %parallel_loop3A_236 = arith.cmpi ne, %parallel_loop3A_225, %parallel_loop3A_235 : vector<16xi32>
        %parallel_loop3A_237 = arith.select %parallel_loop3A_236, %parallel_loop3A_233, %parallel_loop3A_229 : vector<16xi1>, vector<16xi32>
        %parallel_loop3A_238 = arith.index_cast %parallel_loop3A_219 : i32 to index
        %parallel_loop3A_239 = arith.index_cast %parallel_loop3A_129 : i32 to index
        %parallel_loop3A_240 = tpu.vector_load %arg7[%parallel_loop3A_238, %parallel_loop3A_239] {strides = array<i32>} : memref<32x512xi32, #tpu.memory_space<vmem>>, vector<1x16xi32>,
        %parallel_loop3A_241 = vector.shape_cast %parallel_loop3A_240 : vector<1x16xi32> to vector<16xi32>
        %parallel_loop3A_242 = vector.shape_cast %parallel_loop3A_237 : vector<16xi32> to vector<1x16xi32>
        tpu.vector_store %arg7[%parallel_loop3A_238, %parallel_loop3A_239], %parallel_loop3A_242 {strides = array<i32>} : memref<32x512xi32, #tpu.memory_space<vmem>>, vector<1x16xi32>,
      } {sc.loop_unroll_factor = 4 : i64, sc.parallel_access}
      %add3A_113 = arith.constant 1 : i32
      %add3A_114 = arith.addi %mul3A_36, %add3A_113 : i32
      %mul3A_115 = arith.constant 32 : i32
      %mul3A_116 = arith.muli %add3A_114, %mul3A_115 : i32
      %add3A_117 = arith.addi %mul3A_2, %mul3A_116 : i32
      %multiple_of3A_118 = tpu.assume_multiple %add3A_117, 32 : i32
      %dma_start3A_119 = arith.constant 0 : i32
      %dma_start3A_120 = tpu.memref_slice %arg5[%multiple_of3A_118, %dma_start3A_119] : memref<16384x512xi32, #tpu.memory_space<hbm>> -> memref<32x512xi32, #tpu.memory_space<hbm>>
      %dma_start3A_121 = arith.constant 0 : i32
      %dma_start3A_122 = tpu.memref_slice %arg5[%multiple_of3A_118, %dma_start3A_121] : memref<16384x512xi32, #tpu.memory_space<hbm>> -> memref<32x512xi32, #tpu.memory_space<hbm>>
      tpu.enqueue_dma source(%arg7 : memref<32x512xi32, #tpu.memory_space<vmem>>) target(%dma_start3A_122 : memref<32x512xi32, #tpu.memory_space<hbm>>) target_semaphore(%arg15 : memref<!tpu.dma_semaphore, #tpu.memory_space<semaphore_mem>>)
    }
    %scan3A_20 = arith.constant 8 : i32
    %add3A_21 = arith.constant 448 : i32
    %add3A_22 = arith.addi %mul3A_2, %add3A_21 : i32
    %multiple_of3A_23 = tpu.assume_multiple %add3A_22, 32 : i32
    %dma_wait3A = arith.constant 0 : i32
    %dma_wait3A_24 = tpu.memref_slice %arg5[%multiple_of3A_23, %dma_wait3A] : memref<16384x512xi32, #tpu.memory_space<hbm>> -> memref<32x512xi32, #tpu.memory_space<hbm>>
    %dma_wait3A_25 = arith.constant 0 : i32
    %dma_wait3A_26 = tpu.memref_slice %arg5[%multiple_of3A_23, %dma_wait3A_25] : memref<16384x512xi32, #tpu.memory_space<hbm>> -> memref<32x512xi32, #tpu.memory_space<hbm>>
    tpu.wait_dma2 semaphore(%arg14 : memref<!tpu.dma_semaphore, #tpu.memory_space<semaphore_mem>>) src(%arg6 : memref<32x512xi32, #tpu.memory_space<vmem>>) dst(%dma_wait3A_26 : memref<32x512xi32, #tpu.memory_space<hbm>>)
    %add3A_27 = arith.constant 480 : i32
    %add3A_28 = arith.addi %mul3A_2, %add3A_27 : i32
    %multiple_of3A_29 = tpu.assume_multiple %add3A_28, 32 : i32
    %dma_wait3A_30 = arith.constant 0 : i32
    %dma_wait3A_31 = tpu.memref_slice %arg5[%multiple_of3A_29, %dma_wait3A_30] : memref<16384x512xi32, #tpu.memory_space<hbm>> -> memref<32x512xi32, #tpu.memory_space<hbm>>
    %dma_wait3A_32 = arith.constant 0 : i32
    %dma_wait3A_33 = tpu.memref_slice %arg5[%multiple_of3A_29, %dma_wait3A_32] : memref<16384x512xi32, #tpu.memory_space<hbm>> -> memref<32x512xi32, #tpu.memory_space<hbm>>
    tpu.wait_dma2 semaphore(%arg15 : memref<!tpu.dma_semaphore, #tpu.memory_space<semaphore_mem>>) src(%arg7 : memref<32x512xi32, #tpu.memory_space<vmem>>) dst(%dma_wait3A_33 : memref<32x512xi32, #tpu.memory_space<hbm>>)
    return
  }
}

</mosaic_0001>

<sc_bundles>
// kernel: kernel.3.cloned.1.call-start
scs
__scs_entry_jumppad:
0x0: {  	(pc) =	sbr.rel $0x88, $3  }
0x1: {  	(tag) =	ssettag $0x0;
	lr =	simm.s32 $0x1  }
0x2: {  	[smem:$0x3F9E] =	sst lr;
	_ =	strace $0xD0000000  }
0x3: {  	_ = 	snop  }
0x4: {  	_ = 	snop  }
0x5: {  	_ = 	snop  }
0x6: {  	_ = 	snop  }
0x7: {  	_ = 	snop  }
__scs_overlays_trampoline_lowered:
0x8: {  	[smem:$0x3FAD] =	sst s0  }
0x9: {  	[smem:$0x3FAE] =	sst s1  }
0xa: {  	[smem:$0x3FAF] =	sst s2  }
0xb: {  	[smem:$0x3FB0] =	sst s3  }
0xc: {  	[smem:$0x3FB1] =	sst s4  }
0xd: {  	[smem:$0x3FB2] =	sst s5  }
0xe: {  	[smem:$0x3FB3] =	sst s6  }
0xf: {  	[smem:$0x3FB4] =	sst s7  }
0x10: {  	[smem:$0x3FB5] =	sst s8  }
0x11: {  	[smem:$0x3FB6] =	sst s9;
	s0 =	simm.s32 @!p0 $0x0  }
0x12: {  	s1 =	sld [smem:$0x3F9C];
	s0 =	simm.s32 @p0 $0x1  }
0x13: {  	[smem:$0x3FB7] =	sst s0;
	s0 =	simm.s32 @!p1 $0x0  }
0x14: {  	s2 =	sld [smem:$0x3F9B];
	s0 =	simm.s32 @p1 $0x1  }
0x15: {  	[smem:$0x3FB8] =	sst s0;
	s0 =	simm.s32 @!p2 $0x0  }
0x16: {  	s3 =	sld [smem:$0x3FDB];
	s0 =	simm.s32 @p2 $0x1  }
0x17: {  	s4 =	simm.s32 $0x1BF5;
	[smem:$0x3FBA] =	sst s0  }
0x18: {  	s0 =	sld [smem:$0x3F9D];
	_ =	swait.ge [sflag:s4], $0x0  }
0x19: {  	s7 =	sld [smem:$0x3F9E]  }
0x1a: {  	s8 =	sadd.s32 $0xFFFFE003, lr  }
0x1b: {  	s9 =	sadd.s32 $0xFFFFFEF7, lr;
	s5 =	simm.s32 $0xFFFFFFFF;
	p2 =	slt.u32 s8, $0xFFFFF086  }
0x1c: {  	p1 =	slt.u32 s9, $0xF7A;
	s5 =	simm.s32 @!p2 $0x0  }
0x1d: {  	s5 =	simm.s32 @p1 $0x1;
	p0 =	seq.s32 s7, s2  }
0x1e: {  	s7 =	smul.u32 @!p0 $0xF7A, s2;
	p2 =	seq.s32 @!p0 s5, $0x0  }
0x1f: {  	s9 =	smul.u32 $0xF7A, s1;
	s8 =	simm.s32 @!p0 $0x1BF5;
	p2 =	por !p2, p0  }
0x20: {  	[sflag:s8] =	ssyncset.s32 @!p0 $0xFFFFF086;
	s6 =	sadd.s32 @!p0 s3, s7;
	s7 =	simm.s32 @!p0 $0x108  }
0x21: {  	s3 =	sadd.s32 s3, s9;
	s6 =	sadd.s32 @!p0 $0x88, s6;
	s7 =	simm.s32 @p2 $0x1082  }
0x22: {  	[simem:s7], [sflag:s8] =	dma.local @!p0 [hbm:s6], $0xF7A  }
0x23: {  	s9 =	sor.u32 $0xD0000000, s2;
	s6 =	simm.s32 $0x108;
	_ =	swait.ge @!p0 [sflag:s8], $0x0  }
0x24: {  	s3 =	sadd.s32 $0x88, s3;
	s6 =	simm.s32 @!p1 $0x1082;
	[sflag:s4] =	ssyncset.s32 $0xFFFFF086  }
0x25: {  	[simem:s6], [sflag:s4] =	dma.local [hbm:s3], $0xF7A  }
0x26: {  	[smem:$0x3F9E] =	sst s1;
	(tag) =	ssettag s2;
	_ =	strace s9  }
0x27: {  	s1 =	sld [smem:$0x3FAE]  }
0x28: {  	s2 =	sld [smem:$0x3FAF]  }
0x29: {  	s4 =	sld [smem:$0x3FB1]  }
0x2a: {  	p0 =	seq.s32 s5, $0x0;
	s5 =	sld [smem:$0x3FB2]  }
0x2b: {  	s6 =	sld [smem:$0x3FB3]  }
0x2c: {  	s7 =	sld [smem:$0x3FB4]  }
0x2d: {  	s3 =	simm.s32 $0x108;
	s8 =	sld [smem:$0x3FB5]  }
0x2e: {  	s3 =	simm.s32 @!p0 $0x1082;
	s9 =	sld [smem:$0x3FB6]  }
0x2f: {  	lr =	sadd.s32 s0, s3;
	s0 =	sld [smem:$0x3FAD]  }
0x30: {  	s3 =	sld [smem:$0x3FB0]  }
0x31: {  	[smem:$0x3FB9] =	sst s10  }
0x32: {  	s10 =	sld [smem:$0x3FB7];
	_ =	sdelay $0x3  }
0x33: {  	p0 =	seq.s32 s10, $0x1;
	s10 =	sld [smem:$0x3FB9];
	_ =	sdelay $0x3  }
0x34: {  	[smem:$0x3FB9] =	sst s10  }
0x35: {  	s10 =	sld [smem:$0x3FB8];
	_ =	sdelay $0x3  }
0x36: {  	p1 =	seq.s32 s10, $0x1;
	s10 =	sld [smem:$0x3FB9];
	_ =	sdelay $0x3  }
0x37: {  	[smem:$0x3FB9] =	sst s10  }
0x38: {  	s10 =	sld [smem:$0x3FBA]  }
0x39: {  	_ = 	snop;
	(pc) =	sbr.ind lr, $3  }
0x3a: {  	_ = 	snop  }
0x3b: {  	_ = 	snop  }
0x3c: {  	p2 =	seq.s32 s10, $0x1;
	s10 =	sld [smem:$0x3FB9]  }
0x3d: {  	_ =	shalt  }
0x3e: {  	_ =	shalt  }
0x3f: {  	_ =	shalt  }
0x40: {  	_ =	shalt  }
0x41: {  	_ =	shalt  }
0x42: {  	_ =	shalt  }
0x43: {  	_ =	shalt  }
0x44: {  	_ =	shalt  }
0x45: {  	_ =	shalt  }
0x46: {  	_ =	shalt  }
0x47: {  	_ =	shalt  }
0x48: {  	_ =	shalt  }
0x49: {  	_ =	shalt  }
0x4a: {  	_ =	shalt  }
0x4b: {  	_ =	shalt  }
0x4c: {  	_ =	shalt  }
0x4d: {  	_ =	shalt  }
0x4e: {  	_ =	shalt  }
0x4f: {  	_ =	shalt  }
0x50: {  	_ =	shalt  }
0x51: {  	_ =	shalt  }
0x52: {  	_ =	shalt  }
0x53: {  	_ =	shalt  }
0x54: {  	_ =	shalt  }
0x55: {  	_ =	shalt  }
0x56: {  	_ =	shalt  }
0x57: {  	_ =	shalt  }
0x58: {  	_ =	shalt  }
0x59: {  	_ =	shalt  }
0x5a: {  	_ =	shalt  }
0x5b: {  	_ =	shalt  }
0x5c: {  	_ =	shalt  }
0x5d: {  	_ =	shalt  }
0x5e: {  	_ =	shalt  }
0x5f: {  	_ =	shalt  }
0x60: {  	_ =	shalt  }
0x61: {  	_ =	shalt  }
0x62: {  	_ =	shalt  }
0x63: {  	_ =	shalt  }
0x64: {  	_ =	shalt  }
0x65: {  	_ =	shalt  }
0x66: {  	_ =	shalt  }
0x67: {  	_ =	shalt  }
0x68: {  	_ =	shalt  }
0x69: {  	_ =	shalt  }
0x6a: {  	_ =	shalt  }
0x6b: {  	_ =	shalt  }
0x6c: {  	_ =	shalt  }
0x6d: {  	_ =	shalt  }
0x6e: {  	_ =	shalt  }
0x6f: {  	_ =	shalt  }
0x70: {  	_ =	shalt  }
0x71: {  	_ =	shalt  }
0x72: {  	_ =	shalt  }
0x73: {  	_ =	shalt  }
0x74: {  	_ =	shalt  }
0x75: {  	_ =	shalt  }
0x76: {  	_ =	shalt  }
0x77: {  	_ =	shalt  }
0x78: {  	_ =	shalt  }
0x79: {  	_ =	shalt  }
0x7a: {  	_ =	shalt  }
0x7b: {  	_ =	shalt  }
0x7c: {  	_ =	shalt  }
0x7d: {  	_ =	shalt  }
0x7e: {  	_ =	shalt  }
0x7f: {  	_ =	shalt  }
0x80: {  	_ =	shalt  }
0x81: {  	_ =	shalt  }
0x82: {  	_ =	shalt  }
0x83: {  	_ =	shalt  }
0x84: {  	_ =	shalt  }
0x85: {  	_ =	shalt  }
0x86: {  	_ =	shalt  }
0x87: {  	_ =	shalt  }
.Lfunc_end0:
.L_simem_size_0:
called_computation_lowered:
.L_overlay_start_0:
0x88: {  	s2 =	sld [smem:$0x3FD9]  }
0x89: {  	s3 =	sld [smem:$0x3FFE];
	_ =	sdelay $0x1  }
0x8a: {  	s1 =	srdreg.scid  }
0x8b: {  	s0 =	sand.u32 $0x1, s1  }
0x8c: {  	s17 =	sshll.u32 s0, $0xA;
	s2 =	sadd.s32 s3, s2  }
0x8d: {  	s2 =	sadd.s32 s2, s17  }
0x8e: {  	[smem:$0x3FC5] =	sst s2  }
0x8f: {  	_ = 	snop  }
0x90: {  	s2 =	sld [smem:$0x3FC9]  }
0x91: {  	s18 =	sld [smem:$0x3FC8]  }
0x92: {  	s4 =	sld [smem:$0x3FD0];
	(tm) =	ssettm $0x1  }
0x93: {  	s5 =	sld [smem:$0x3FFB];
	_ =	sdelay $0x3  }
0x94: {  	_ =	strace s5  }
0x95: {  	s5 =	sld [smem:$0x3FFC];
	_ =	sdelay $0x3  }
0x96: {  	_ =	strace s5  }
0x97: {  	s5 =	sld [smem:$0x3FFD];
	_ =	sdelay $0x3  }
0x98: {  	_ =	strace s5  }
0x99: {  	_ =	strace $0x8FFFFFFF  }
0x9a: {  	s19 =	sld [smem:$0x3FDB];
	_ =	sdelay $0x1  }
0x9b: {  	s6 =	simm.s32 $_scs_section_size  }
0x9c: {  	s7 =	simm.s32 $_size__tile_overlayer_lowered;
	s8 =	simm.s32 $_tile_overlayer_lowered  }
0x9d: {  	s22 =	simm.s32 $0x1BFF;
	s21 =	sshll.u32 s8, $0x1;
	s5 =	sadd.s32 s6, s19  }
0x9e: {  	s9 =	simm.s32 $0x0;
	s20 =	sshll.u32 s7, $0x1;
	s7 =	sadd.s32 s21, s5  }
0x9f: {  	[timem:s9], [sflag:s22] =	dma.local [hbm:s7], s20  }
0xa0: {  	_ =	swait.ge [sflag:s22], s20  }
0xa1: {  	s6 =	ssub.s32 $0x0, s20;
	[sflag:s22] =	ssyncset.done $0x0  }
0xa2: {  	[sflag:s22] =	ssyncadd.s32 s6;
	_ =	sdelay $0x1  }
0xa3: {  	s23 =	simm.s32 $0x1B8B  }
0xa4: {  	_ =	swait.ge [sflag:s23], $0x1  }
0xa5: {  	[sflag:s23] =	ssyncset.done $0x0  }
0xa6: {  	s25 =	simm.s32 $0x1B8E;
	s24 =	sld [smem:$0x3FFE];
	[sflag:s23] =	ssyncadd.s32 $0xFFFFFFFF  }
0xa7: {  	s26 =	simm.s32 $execute0_lowered;
	[smem:$0x3FD2] =	sst s25  }
0xa8: {  	s7 =	sshll.u32 s26, $0x1;
	_ =	strace $0x80000046;
	[dreg:$0x1] =	wrdreg $0xFFFFFFFF  }
0xa9: {  	s28 =	simm.s32 $_size_execute0_lowered;
	s5 =	sadd.s32 s5, s7;
	[dreg:$0x0] =	wrdreg $0x0  }
0xaa: {  	s7 =	sshll.u32 s28, $0x1;
	[dreg:$0x2] =	wrdreg s5  }
0xab: {  	[dreg:$0x3] =	wrdreg s7  }
0xac: {  	[dreg:$0x4] =	wrdreg $0xC0  }
0xad: {  	_ =	task [dreg:s9], $0x5FFFF  }
0xae: {  	[dreg:$0x1] =	wrdreg $0xFFFFFFFF  }
0xaf: {  	[dreg:$0x0] =	wrdreg $0x60  }
0xb0: {  	[dreg:$0x2] =	wrdreg s2  }
0xb1: {  	[dreg:$0x3] =	wrdreg s18  }
0xb2: {  	[dreg:$0x4] =	wrdreg s24  }
0xb3: {  	[dreg:$0x5] =	wrdreg s4  }
0xb4: {  	[dreg:$0x6] =	wrdreg $0x9  }
0xb5: {  	_ =	task.clear_ibuf [dreg:s9], $0x7FFFF;
	_ =	strace $0x90000046  }
0xb6: {  	s29 =	simm.s32 $0x9;
	_ =	strace $0x80000048  }
0xb7: {  	_ =	swait.ge [sflag:s29], $0x1  }
0xb8: {  	[sflag:s29] =	ssyncadd.s32 $0xFFFFFFFF  }
0xb9: {  	_ =	strace $0x90000048  }
0xba: {  	_ =	sfence  }
0xbb: {  	s30 =	sld [smem:$0x0];
	_ =	sdelay $0x2  }
0xbc: {  	s31 =	sshll.u32 s1, $0xD;
	s1 =	sshrl.u32 s1, $0x2  }
0xbd: {  	s3 =	sand.u32 $0x4000, s31;
	s1 =	sadd.s32 s1, s30  }
0xbe: {  	s0 =	sor.u32 s3, s0;
	s1 =	sshll.u32 s1, $0x11  }
0xbf: {  	s0 =	sor.u32 s1, s0  }
0xc0: {  	s0 =	sadd.s32 $0x8F2B, s0  }
0xc1: {  	[sflag:s0] =	ssyncadd.remote.s32 $0x1  }
0xc2: {  	_ =	sfence.sel $0xFFFF  }
0xc3: {  	[dreg:$0x0] =	wrdreg $0xFFFFFFFF;
	(pc) =	sbr.abs _section_cstart, $3  }
0xc4: {  	[dreg:$0x1] =	wrdreg $0xFFFFFFFF  }
0xc5: {  	_ =	task.clear_ibuf [dreg:s9], $0x2FFFF;
	_ =	strace $0x9FFFFFFF  }
0xc6: {  	(tm) =	ssettm $0x7FFFFFFF  }
0xc7: {  	_ =	shalt  }
tec
execute0_lowered:
.L_overlay_start_1:
0x0: {  	(tag) =	ssettag $0x1  }
0x1: {  	s2 =	rddreg [dreg:$0x0]  }
0x2: {  	s7 =	rddreg [dreg:$0x1]  }
0x3: {  	s0 =	rddreg [dreg:$0x2]  }
0x4: {  	s8 =	rddreg [dreg:$0x3];
	s1 =	srdreg.scid  }
0x5: {  	s5 =	simm.s32 $0x0;
	s3 =	stileid.u32;
	s1 =	sand.u32 $0x1, s1  }
0x6: {  	s18 =	simm.s32 $0x100;
	s3 =	sshll.u32 s3, $0xA;
	s4 =	sshll.u32 s1, $0x9  }
0x7: {  	[smem:$0x7FF] =	sst s5;
	s6 =	sadd.s32 $0x400, s0;
	s3 =	sor.u32 s4, s3  }
0x8: {  	_ =	strace $0x80000047;
	s4 =	sshll.u32 s3, $0x6;
	s28 =	sor.u32 $0x40, s3  }
0x9: {  	s1 =	ssub.s32 $0x2, s1;
	s23 =	sadd.s32 s2, s4;
	[dreg:$0x9] =	wrdreg s28  }
0xa: {  	s22 =	sshrl.u32 s1, $0x1;
	s25 =	sadd.s32 s7, s4;
	[dreg:$0x5] =	wrdreg s23  }
0xb: {  	s0 =	ssub.s32 s1, s22;
	s26 =	sadd.s32 s8, s4;
	[dreg:$0x6] =	wrdreg s25  }
0xc: {  	s24 =	sshll.u32 s3, $0x4;
	s0 =	smax.u32 s0, $0x1;
	[dreg:$0x8] =	wrdreg s26  }
0xd: {  	s19 =	simm.s32 $0x400;
	s1 =	sadd.s32 s6, s24;
	[dreg:$0xa] =	wrdreg s0  }
0xe: {  	s16 =	sor.u32 $0x20, s3;
	s29 =	sadd.s32 $0x20, s1;
	[dreg:$0x7] =	wrdreg s1  }
0xf: {  	s3 =	simm.s32 $0x0;
	s30 =	sadd.s32 $0x40, s1;
	[dreg:$0xb] =	wrdreg s29  }
0x10: {  	s24 =	simm.s32 $0x1;
	s31 =	sadd.s32 $0x60, s1;
	[dreg:$0xc] =	wrdreg s30  }
0x11: {  	s25 =	simm.s32 $0x4000;
	s0 =	simm.s32 $0x2;
	[dreg:$0xd] =	wrdreg s31  }
.LBB2_1:
0x12: {  	[dreg:$0xe] =	wrdreg s3  }
0x13: {  	s1 =	rddreg [dreg:$0x5]  }
0x14: {  	[tilespmem:s5], [sflag:$0x1] =	stream.linear.gather [hbm4b:s1+s5], $0x4000, $0x38;
	[tilespmem:$0x12000] =	vst v63  }
0x15: {  	s20 =	rddreg [dreg:$0x6];
	s2 =	simm.s32 $0x8000  }
0x16: {  	[tilespmem:s2], [sflag:$0x1] =	stream.linear.gather [hbm4b:s20+s5], $0x4000, $0x38;
	[tilespmem:$0x12000] =	vst v63  }
0x17: {  	s21 =	rddreg [dreg:$0x7];
	s22 =	simm.s32 $0x10000  }
0x18: {  	[tilespmem:s22], [sflag:$0x1] =	stream.strided.gather [hbm4b:s21+s18], $0x400, s19, s18, $0x38;
	[tilespmem:$0x12000] =	vst v63  }
0x19: {  	s23 =	rddreg [dreg:$0xb];
	s26 =	simm.s32 $0x10400  }
0x1a: {  	[tilespmem:s26], [sflag:$0x1] =	stream.strided.gather [hbm4b:s23+s18], $0x400, s19, s18, $0x38;
	[tilespmem:$0x12000] =	vst v63  }
0x1b: {  	s28 =	rddreg [dreg:$0xc];
	s29 =	simm.s32 $0x10800  }
0x1c: {  	[tilespmem:s29], [sflag:$0x1] =	stream.strided.gather [hbm4b:s28+s18], $0x400, s19, s18, $0x38;
	[tilespmem:$0x12000] =	vst v63  }
0x1d: {  	s30 =	rddreg [dreg:$0xd];
	s31 =	simm.s32 $0x10C00;
	s12 =	simm.s32 $0x0  }
0x1e: {  	[tilespmem:s31], [sflag:$0x1] =	stream.strided.gather [hbm4b:s30+s18], $0x400, s19, s18, $0x38;
	[tilespmem:$0x12000] =	vst v63  }
.LBB2_2:
0x1f: {  	_ =	swait.ge [sflag:s24], $0x4000  }
0x20: {  	[sflag:s24] =	ssyncset.done $0x0  }
0x21: {  	[sflag:s24] =	ssyncadd.s32 $0xFFFFC000  }
0x22: {  	_ =	swait.ge [sflag:s24], $0x4000  }
0x23: {  	[sflag:s24] =	ssyncset.done $0x0  }
0x24: {  	p0 =	seq.s32 s12, $0x0;
	[sflag:s24] =	ssyncadd.s32 $0xFFFFC000  }
0x25: {  	s14 =	sshll.u32 s12, $0x6;
	s4 =	simm.s32 $0x0;
	_ =	swait.ge [sflag:s24], $0x1000  }
0x26: {  	s2 =	simm.s32 $0xC000;
	s20 =	simm.s32 $0x11000;
	[sflag:s24] =	ssyncset.done $0x0  }
0x27: {  	s22 =	simm.s32 $0x11400;
	s1 =	simm.s32 @!p0 $0x3;
	[sflag:s24] =	ssyncadd.s32 $0xFFFFF000  }
0x28: {  	s26 =	simm.s32 $0x11800;
	s31 =	simm.s32 $0x11C00;
	_ =	swait.ge @!p0 [sflag:s1], $0x4000  }
0x29: {  	s9 =	simm.s32 $0x0;
	s10 =	simm.s32 $0x0;
	[sflag:s1] =	ssyncset.done @!p0 $0x0  }
0x2a: {  	s7 =	simm.s32 $0x0;
	s3 =	sor.u32 s16, s14;
	[sflag:s1] =	ssyncadd.s32 @!p0 $0xFFFFC000  }
0x2b: {  	s8 =	sand.u32 $0x40, s4;
	s13 =	sshll.u32 s3, $0x6;
	s1 =	rddreg [dreg:$0x0]  }
0x2c: {  	s7 =	sand.u32 $0x3000, s7;
	s15 =	rddreg [dreg:$0x1];
	s1 =	sadd.s32 s1, s13  }
0x2d: {  	[tilespmem:s25], [sflag:$0x2] =	stream.linear.gather [hbm4b:s1+s4], $0x4000, $0x38;
	[tilespmem:$0x12000] =	vst v63  }
0x2e: {  	s17 =	sshll.u32 s3, $0x4;
	s3 =	sand.u32 $0x3FFFFF80, s9;
	s1 =	sadd.s32 s15, s13  }
0x2f: {  	[tilespmem:s2], [sflag:$0x2] =	stream.linear.gather [hbm4b:s1+s4], $0x4000, $0x38;
	[tilespmem:$0x12000] =	vst v63  }
0x30: {  	s1 =	sadd.s32 s6, s17;
	s2 =	sand.u32 $0xC00, s4;
	s4 =	sand.u32 $0x200, s10  }
0x31: {  	[tilespmem:s20], [sflag:$0x2] =	stream.strided.gather [hbm4b:s1+s18], $0x400, s19, s18, $0x38;
	[tilespmem:$0x12000] =	vst v63  }
0x32: {  	s21 =	sadd.s32 $0x20, s1;
	s23 =	sadd.s32 $0x40, s1;
	s3 =	sadd.s32 s2, s3  }
0x33: {  	[tilespmem:s22], [sflag:$0x2] =	stream.strided.gather [hbm4b:s21+s18], $0x400, s19, s18, $0x38;
	[tilespmem:$0x12000] =	vst v63  }
0x34: {  	s11 =	sor.u32 s7, s4;
	s4 =	sor.u32 $0x30, s8;
	s9 =	sadd.s32 $0x10000, s3  }
0x35: {  	[tilespmem:s26], [sflag:$0x2] =	stream.strided.gather [hbm4b:s23+s18], $0x400, s19, s18, $0x38;
	[tilespmem:$0x12000] =	vst v63  }
0x36: {  	s1 =	sadd.s32 $0x60, s1;
	s7 =	sor.u32 s2, s11;
	s15 =	sor.u32 s4, s9  }
0x37: {  	[tilespmem:s31], [sflag:$0x2] =	stream.strided.gather [hbm4b:s1+s18], $0x400, s19, s18, $0x38;
	[tilespmem:$0x12000] =	vst v63  }
0x38: {  	s11 =	sor.u32 s4, s7;
	v1 =	vld [tilespmem:s15+$0x0]  }
0x39: {  	v0 =	vld [tilespmem:s11+$0x0]  }
0x3a: {  	s1 =	sor.u32 $0x10, s8;
	s15 =	sor.u32 s8, s9;
	v5 =	vld [tilespmem:s11+$0x8000]  }
0x3b: {  	s3 =	sor.u32 $0x20, s8;
	s17 =	sor.u32 s1, s9;
	v4 =	vld [tilespmem:s15+$0x0]  }
0x3c: {  	s9 =	sor.u32 s3, s9;
	v3 =	vld [tilespmem:s17+$0x0]  }
0x3d: {  	s17 =	sor.u32 s8, s7;
	v2 =	vld [tilespmem:s9+$0x0]  }
0x3e: {  	v7 =	vld [tilespmem:s17+$0x0];
	v6 =	vand.u32 $0xFF, v1  }
0x3f: {  	s22 =	sor.u32 s1, s7;
	vm0 =	veq.s32 v6, $0x0;
	v6 =	vld [tilespmem:s17+$0x8000]  }
0x40: {  	s23 =	sor.u32 $0x80, s7;
	v0 =	vsel vm0, v0, v5;
	v5 =	vld [tilespmem:s22+$0x0]  }
0x41: {  	s26 =	sor.u32 s4, s23;
	[tilespmem:s11+$0x0] =	vst v0;
	v0 =	vld [tilespmem:s22+$0x8000]  }
0x42: {  	v8 =	vand.u32 $0xFF, v4;
	v9 =	vld [tilespmem:s26+$0x0]  }
0x43: {  	s20 =	sor.u32 s3, s7;
	vm0 =	veq.s32 v8, $0x0;
	v8 =	vld [tilespmem:s26+$0x8000]  }
0x44: {  	v10 =	vand.u32 $0xFF, v3;
	v6 =	vsel vm0, v7, v6;
	v7 =	vld [tilespmem:s20+$0x0]  }
0x45: {  	s21 =	sor.u32 s8, s23;
	vm0 =	veq.s32 v10, $0x0;
	[tilespmem:s17+$0x0] =	vst v6;
	v6 =	vld [tilespmem:s20+$0x8000]  }
0x46: {  	v41 =	vand.u32 $0xFF00, v1;
	v11 =	vld [tilespmem:s21+$0x0];
	v0 =	vsel vm0, v5, v0  }
0x47: {  	s31 =	sor.u32 s1, s23;
	vm0 =	veq.s32 v41, $0x0;
	v5 =	vld [tilespmem:s21+$0x8000];
	[tilespmem:s22+$0x0] =	vst v0  }
0x48: {  	s2 =	sor.u32 $0x100, s7;
	v0 =	vand.u32 $0xFF, v2;
	v8 =	vsel vm0, v9, v8;
	v42 =	vld [tilespmem:s31+$0x0]  }
0x49: {  	s10 =	sor.u32 s4, s2;
	vm0 =	veq.s32 v0, $0x0;
	[tilespmem:s26+$0x0] =	vst v8;
	v0 =	vld [tilespmem:s31+$0x8000]  }
0x4a: {  	v8 =	vand.u32 $0xFF00, v4;
	v43 =	vld [tilespmem:s10+$0x0];
	v6 =	vsel vm0, v7, v6  }
0x4b: {  	s22 =	sor.u32 s3, s23;
	vm0 =	veq.s32 v8, $0x0;
	v7 =	vld [tilespmem:s10+$0x8000];
	[tilespmem:s20+$0x0] =	vst v6  }
0x4c: {  	v6 =	vand.u32 $0xFF00, v3;
	v5 =	vsel vm0, v11, v5;
	v8 =	vld [tilespmem:s22+$0x0]  }
0x4d: {  	s23 =	sor.u32 s8, s2;
	vm0 =	veq.s32 v6, $0x0;
	[tilespmem:s21+$0x0] =	vst v5;
	v5 =	vld [tilespmem:s22+$0x8000]  }
0x4e: {  	v6 =	vand.u32 $0xFF0000, v1;
	v44 =	vld [tilespmem:s23+$0x0];
	v0 =	vsel vm0, v42, v0  }
0x4f: {  	s26 =	sor.u32 s1, s2;
	vm0 =	veq.s32 v6, $0x0;
	v6 =	vld [tilespmem:s23+$0x8000];
	[tilespmem:s31+$0x0] =	vst v0  }
0x50: {  	s7 =	sor.u32 $0x180, s7;
	s15 =	simm.s32 $0x200;
	v0 =	vand.u32 $0xFF00, v2;
	v7 =	vsel vm0, v43, v7;
	v45 =	vld [tilespmem:s26+$0x0]  }
0x51: {  	s4 =	sor.u32 s4, s7;
	s17 =	sor.u32 s8, s7;
	s31 =	simm.s32 $0x10;
	vm0 =	veq.s32 v0, $0x0;
	v0 =	vld [tilespmem:s26+$0x8000];
	[tilespmem:s10+$0x0] =	vst v7  }
0x52: {  	s8 =	sor.u32 s1, s7;
	s1 =	sand.u32 $0xC00, s15;
	s11 =	sand.u32 $0x3FFFFF80, s31;
	v7 =	vand.u32 $0xFF0000, v4;
	v46 =	vld [tilespmem:s4+$0x0];
	v5 =	vsel vm0, v8, v5  }
0x53: {  	s9 =	simm.s32 $0x40;
	s21 =	sor.u32 s3, s2;
	s11 =	sadd.s32 s1, s11;
	vm0 =	veq.s32 v7, $0x0;
	v7 =	vld [tilespmem:s4+$0x8000];
	[tilespmem:s22+$0x0] =	vst v5  }
0x54: {  	s20 =	sand.u32 $0x40, s9;
	s28 =	sadd.s32 $0x10000, s11;
	v5 =	vand.u32 $0xFF0000, v3;
	v8 =	vld [tilespmem:s21+$0x0]  }
0x55: {  	v6 =	vsel vm0, v44, v6;
	s29 =	sor.u32 s20, s28;
	vm0 =	veq.s32 v5, $0x0;
	v5 =	vld [tilespmem:s21+$0x8000]  }
0x56: {  	s2 =	simm.s32 $0x40;
	s10 =	simm.s32 $0x100;
	[tilespmem:s23+$0x0] =	vst v6;
	v14 =	vld [tilespmem:s29+$0x0]  }
0x57: {  	s22 =	sand.u32 $0x200, s2;
	s23 =	sand.u32 $0x3000, s10;
	v6 =	vld [tilespmem:s17+$0x0];
	v0 =	vsel vm0, v45, v0  }
0x58: {  	s11 =	sor.u32 $0x30, s20;
	v47 =	vld [tilespmem:s17+$0x8000];
	s22 =	sor.u32 s23, s22;
	[tilespmem:s26+$0x0] =	vst v0  }
0x59: {  	s1 =	sor.u32 s1, s22;
	s26 =	sor.u32 s11, s28;
	v48 =	vld [tilespmem:s8+$0x0]  }
0x5a: {  	v0 =	vld [tilespmem:s26+$0x0];
	s31 =	sor.u32 s11, s1  }
0x5b: {  	s22 =	sor.u32 $0x10, s20;
	v12 =	vld [tilespmem:s31+$0x0]  }
0x5c: {  	s23 =	sor.u32 $0x20, s20;
	s30 =	sor.u32 s22, s28;
	v13 =	vld [tilespmem:s31+$0x8000]  }
0x5d: {  	s28 =	sor.u32 s23, s28;
	v15 =	vld [tilespmem:s30+$0x0]  }
0x5e: {  	s29 =	sor.u32 s20, s1;
	v16 =	vld [tilespmem:s28+$0x0]  }
0x5f: {  	v18 =	vld [tilespmem:s29+$0x0];
	v17 =	vand.u32 $0xFF, v0  }
0x60: {  	s2 =	sor.u32 s23, s1;
	v49 =	vld [tilespmem:s29+$0x8000];
	vm0 =	veq.s32 v17, $0x0  }
0x61: {  	s30 =	sor.u32 $0x80, s1;
	v52 =	vld [tilespmem:s2+$0x0];
	v12 =	vsel vm0, v12, v13  }
0x62: {  	v53 =	vld [tilespmem:s2+$0x8000];
	[tilespmem:s31+$0x0] =	vst v12;
	s31 =	sor.u32 s11, s30  }
0x63: {  	v12 =	vld [tilespmem:s31+$0x0]  }
0x64: {  	s28 =	sor.u32 s22, s1;
	v19 =	vand.u32 $0xFF, v14;
	v20 =	vld [tilespmem:s31+$0x8000]  }
0x65: {  	v50 =	vld [tilespmem:s28+$0x0];
	vm0 =	veq.s32 v19, $0x0  }
0x66: {  	v51 =	vld [tilespmem:s28+$0x8000];
	v58 =	vand.u32 $0xFF, v16;
	v17 =	vsel vm0, v18, v49  }
0x67: {  	v57 =	vand.u32 $0xFF0000, v2;
	v56 =	vld [tilespmem:s8+$0x8000];
	s10 =	sor.u32 s20, s30;
	v21 =	vand.u32 $0xFF00, v0;
	vm1 =	veq.s32 v58, $0x0;
	[tilespmem:s29+$0x0] =	vst v17  }
0x68: {  	vm3 =	vlt.u32 v3, $0x1000000;
	vm0 =	veq.s32 v21, $0x0;
	v3 =	vsel vm1, v52, v53;
	v22 =	vld [tilespmem:s10+$0x0]  }
0x69: {  	s26 =	sor.u32 $0x100, s1;
	v54 =	vand.u32 $0xFF, v15;
	vm1 =	vlt.u32 v1, $0x1000000;
	[tilespmem:s2+$0x0] =	vst v3;
	s2 =	sor.u32 s23, s30;
	v55 =	vld [tilespmem:s10+$0x8000];
	v12 =	vsel vm0, v12, v20  }
0x6a: {  	vm4 =	vlt.u32 v2, $0x1000000;
	s29 =	sor.u32 s11, s26;
	v2 =	vsel vm1, v46, v7;
	v7 =	vld [tilespmem:s2+$0x0];
	vm0 =	veq.s32 v54, $0x0;
	[tilespmem:s31+$0x0] =	vst v12  }
0x6b: {  	v13 =	vsel vm0, v50, v51;
	v23 =	vld [tilespmem:s29+$0x0]  }
0x6c: {  	vm2 =	vlt.u32 v4, $0x1000000;
	v59 =	vand.u32 $0xFF00, v14;
	s31 =	sor.u32 s22, s30;
	[tilespmem:s28+$0x0] =	vst v13;
	v4 =	vld [tilespmem:s29+$0x8000]  }
0x6d: {  	vm5 =	veq.s32 v59, $0x0;
	v60 =	vld [tilespmem:s31+$0x0]  }
0x6e: {  	vm0 =	veq.s32 v57, $0x0;
	v3 =	vsel vm5, v22, v55;
	v1 =	vld [tilespmem:s31+$0x8000]  }
0x6f: {  	v61 =	vand.u32 $0xFF0000, v0;
	v5 =	vsel vm0, v8, v5;
	[tilespmem:s10+$0x0] =	vst v3;
	s28 =	sor.u32 s20, s26;
	v8 =	vld [tilespmem:s2+$0x8000]  }
0x70: {  	vm0 =	veq.s32 v61, $0x0;
	v3 =	vsel vm2, v6, v47;
	v6 =	vld [tilespmem:s28+$0x0]  }
0x71: {  	s1 =	sor.u32 $0x180, s1;
	v63 =	vand.u32 $0xFF0000, v16;
	[tilespmem:s4+$0x0] =	vst v2;
	v2 =	vand.u32 $0xFF00, v15;
	v62 =	vld [tilespmem:s28+$0x8000];
	v4 =	vsel vm0, v23, v4  }
0x72: {  	vm1 =	vmmov vm3;
	s30 =	sor.u32 s11, s1;
	vm2 =	veq.s32 v2, $0x0;
	[tilespmem:s29+$0x0] =	vst v4;
	v4 =	vand.u32 $0xFF00, v16  }
0x73: {  	v2 =	vand.u32 $0xFF0000, v14;
	[tilespmem:s21+$0x0] =	vst v5;
	vm3 =	veq.s32 v4, $0x0;
	v4 =	vsel vm2, v60, v1;
	v1 =	vld [tilespmem:s30+$0x0]  }
0x74: {  	vm7 =	vlt.u32 v15, $0x1000000;
	s4 =	sor.u32 s22, s26;
	v5 =	vand.u32 $0xFF0000, v15;
	vm6 =	veq.s32 v2, $0x0;
	v2 =	vld [tilespmem:s30+$0x8000];
	[tilespmem:s31+$0x0] =	vst v4  }
0x75: {  	[tilespmem:s17+$0x0] =	vst v3;
	vm5 =	veq.s32 v5, $0x0;
	vm0 =	vmmov vm4;
	v4 =	vsel vm3, v7, v8;
	v3 =	vld [tilespmem:s4+$0x0]  }
0x76: {  	s3 =	sor.u32 s3, s7;
	s7 =	sor.u32 s22, s1;
	s11 =	sor.u32 s23, s26;
	vm4 =	veq.s32 v63, $0x0;
	v6 =	vsel vm6, v6, v62;
	[tilespmem:s2+$0x0] =	vst v4;
	v4 =	vsel vm1, v48, v56;
	v5 =	vld [tilespmem:s4+$0x8000]  }
0x77: {  	s26 =	sor.u32 s23, s1;
	s29 =	sor.u32 s20, s1;
	vm2 =	vlt.u32 v14, $0x1000000;
	vm3 =	vlt.u32 v16, $0x1000000;
	vm1 =	vmmov vm7;
	[tilespmem:s8+$0x0] =	vst v4;
	s8 =	simm.s32 $0x4;
	v4 =	vld [tilespmem:s11+$0x0]  }
.LBB2_3:
0x78: {  	s8 =	sadd.s32 $0x4, s8;
	[tilespmem:s28+$0x0] =	vst v6;
	v6 =	vld [tilespmem:s11+$0x8000];
	vm6 =	vlt.u32 v0, $0x1000000;
	s15 =	sadd.s32 $0x200, s15;
	s9 =	sadd.s32 $0x40, s9  }
0x79: {  	s17 =	sand.u32 $0x40, s9;
	s1 =	sand.u32 $0xC00, s15;
	s2 =	sshll.u32 s8, $0x2;
	v7 =	vld [tilespmem:s29+$0x0];
	v0 =	vsel vm6, v1, v2  }
0x7a: {  	s10 =	sshll.u32 s8, $0x4;
	s20 =	sshll.u32 s8, $0x6;
	s2 =	sand.u32 $0x3FFFFF80, s2;
	v1 =	vld [tilespmem:s29+$0x8000];
	[tilespmem:s30+$0x0] =	vst v0  }
0x7b: {  	s20 =	sand.u32 $0x3000, s20;
	s10 =	sand.u32 $0x200, s10;
	s2 =	sadd.s32 s1, s2;
	v0 =	vsel vm5, v3, v5;
	v2 =	vld [tilespmem:s3+$0x0]  }
0x7c: {  	s10 =	sor.u32 s20, s10;
	s20 =	sor.u32 $0x30, s17;
	s2 =	sadd.s32 $0x10000, s2;
	[tilespmem:s4+$0x0] =	vst v0;
	v3 =	vld [tilespmem:s3+$0x8000]  }
0x7d: {  	s21 =	sor.u32 $0x10, s17;
	s23 =	sor.u32 s1, s10;
	s1 =	sor.u32 s20, s2;
	v5 =	vld [tilespmem:s7+$0x0];
	v4 =	vsel vm4, v4, v6  }
0x7e: {  	s22 =	sor.u32 $0x20, s17;
	s4 =	sor.u32 s17, s2;
	v0 =	vld [tilespmem:s1+$0x0];
	s1 =	sor.u32 s20, s23;
	[tilespmem:s11+$0x0] =	vst v4  }
0x7f: {  	s10 =	sor.u32 s17, s23;
	s28 =	sor.u32 s21, s2;
	s2 =	sor.u32 s22, s2;
	v4 =	vld [tilespmem:s1+$0x0];
	v1 =	vsel vm2, v7, v1  }
0x80: {  	p1 =	slt.u32 s8, $0xFC;
	s30 =	sor.u32 s22, s23;
	s11 =	sor.u32 s21, s23;
	v6 =	vld [tilespmem:s1+$0x8000];
	[tilespmem:s29+$0x0] =	vst v1  }
0x81: {  	v1 =	vld [tilespmem:s4+$0x0];
	v2 =	vsel vm0, v2, v3;
	vm0 =	vmmov vm3  }
0x82: {  	v3 =	vld [tilespmem:s28+$0x0];
	[tilespmem:s3+$0x0] =	vst v2;
	s3 =	smov.u32 s26  }
0x83: {  	v2 =	vld [tilespmem:s2+$0x0];
	v7 =	vand.u32 $0xFF, v0  }
0x84: {  	v8 =	vld [tilespmem:s10+$0x0];
	vm2 =	veq.s32 v7, $0x0  }
0x85: {  	s2 =	sor.u32 $0x80, s23;
	v7 =	vld [tilespmem:s10+$0x8000];
	v4 =	vsel vm2, v4, v6  }
0x86: {  	s26 =	sor.u32 s17, s2;
	s31 =	sor.u32 s21, s2;
	s29 =	sor.u32 s20, s2;
	v6 =	vand.u32 $0xFF, v1;
	v9 =	vand.u32 $0xFF00, v1;
	v10 =	vand.u32 $0xFF0000, v1;
	v11 =	vld [tilespmem:s11+$0x0];
	[tilespmem:s1+$0x0] =	vst v4  }
0x87: {  	s1 =	sor.u32 s22, s2;
	vm2 =	veq.s32 v6, $0x0;
	v4 =	vand.u32 $0xFF, v3;
	v6 =	vand.u32 $0xFF00, v3;
	v12 =	vld [tilespmem:s29+$0x0]  }
0x88: {  	vm3 =	veq.s32 v4, $0x0;
	v4 =	vand.u32 $0xFF, v2;
	v13 =	vand.u32 $0xFF00, v2;
	v14 =	vld [tilespmem:s29+$0x8000]  }
0x89: {  	vm9 =	veq.s32 v9, $0x0;
	vm8 =	veq.s32 v6, $0x0;
	v9 =	vld [tilespmem:s11+$0x8000];
	vm10 =	veq.s32 v4, $0x0  }
0x8a: {  	v6 =	vand.u32 $0xFF0000, v3;
	vm7 =	veq.s32 v13, $0x0;
	v4 =	vsel vm2, v8, v7;
	v7 =	vld [tilespmem:s30+$0x0]  }
0x8b: {  	vm6 =	veq.s32 v10, $0x0;
	v10 =	vand.u32 $0xFF00, v0;
	v8 =	vand.u32 $0xFF0000, v2;
	[tilespmem:s10+$0x0] =	vst v4;
	v4 =	vld [tilespmem:s30+$0x8000]  }
0x8c: {  	vm11 =	veq.s32 v10, $0x0;
	vm5 =	veq.s32 v6, $0x0;
	vm4 =	veq.s32 v8, $0x0;
	v13 =	vld [tilespmem:s26+$0x0]  }
0x8d: {  	s2 =	sor.u32 $0x100, s23;
	vm12 =	vlt.u32 v3, $0x1000000;
	vm2 =	vlt.u32 v1, $0x1000000;
	v6 =	vld [tilespmem:s26+$0x8000];
	v1 =	vsel vm11, v12, v14  }
0x8e: {  	s28 =	sor.u32 s17, s2;
	s4 =	sor.u32 s21, s2;
	s10 =	sor.u32 s20, s2;
	v3 =	vsel vm3, v11, v9;
	vm3 =	vlt.u32 v2, $0x1000000;
	[tilespmem:s29+$0x0] =	vst v1;
	v1 =	vld [tilespmem:s7+$0x8000]  }
0x8f: {  	[tilespmem:s11+$0x0] =	vst v3;
	s11 =	sor.u32 s22, s2;
	v2 =	vld [tilespmem:s10+$0x0]  }
0x90: {  	v3 =	vsel vm10, v7, v4;
	v4 =	vld [tilespmem:s10+$0x8000]  }
0x91: {  	v7 =	vld [tilespmem:s31+$0x0];
	[tilespmem:s30+$0x0] =	vst v3  }
0x92: {  	v3 =	vsel vm9, v13, v6;
	v6 =	vld [tilespmem:s31+$0x8000]  }
0x93: {  	[tilespmem:s26+$0x0] =	vst v3;
	v8 =	vld [tilespmem:s1+$0x0];
	v3 =	vand.u32 $0xFF0000, v0;
	v1 =	vsel vm1, v5, v1;
	vm1 =	vmmov vm12  }
0x94: {  	v5 =	vld [tilespmem:s1+$0x8000];
	vm9 =	veq.s32 v3, $0x0;
	[tilespmem:s7+$0x0] =	vst v1  }
0x95: {  	s2 =	sor.u32 $0x180, s23;
	v9 =	vld [tilespmem:s28+$0x0];
	v1 =	vsel vm9, v2, v4  }
0x96: {  	s29 =	sor.u32 s17, s2;
	s30 =	sor.u32 s20, s2;
	s7 =	sor.u32 s21, s2;
	v4 =	vld [tilespmem:s28+$0x8000];
	[tilespmem:s10+$0x0] =	vst v1  }
.Ltmp0:
0x97: {  	s26 =	sor.u32 s22, s2;
	v2 =	vsel vm8, v7, v6;
	v1 =	vld [tilespmem:s30+$0x0];
	(pc) =	sbr.rel @p1 .LBB2_3-.Ltmp0, $4  }
0x98: {  	[tilespmem:s31+$0x0] =	vst v2;
	v2 =	vld [tilespmem:s30+$0x8000]  }
0x99: {  	v3 =	vld [tilespmem:s4+$0x0];
	v6 =	vsel vm7, v8, v5  }
0x9a: {  	v5 =	vld [tilespmem:s4+$0x8000];
	[tilespmem:s1+$0x0] =	vst v6  }
0x9b: {  	v6 =	vsel vm6, v9, v4;
	v4 =	vld [tilespmem:s11+$0x0]  }
0x9c: {  	[tilespmem:s28+$0x0] =	vst v6;
	v6 =	vld [tilespmem:s11+$0x8000]  }
0x9d: {  	v7 =	vld [tilespmem:s29+$0x0]  }
0x9e: {  	v8 =	vld [tilespmem:s29+$0x8000]  }
0x9f: {  	v3 =	vsel vm5, v3, v5;
	v5 =	vld [tilespmem:s3+$0x0]  }
0xa0: {  	[tilespmem:s4+$0x0] =	vst v3;
	v3 =	vld [tilespmem:s3+$0x8000]  }
0xa1: {  	v9 =	vld [tilespmem:s7+$0x0];
	v4 =	vsel vm4, v4, v6  }
0xa2: {  	[tilespmem:s11+$0x0] =	vst v4;
	v4 =	vld [tilespmem:s7+$0x8000]  }
0xa3: {  	v6 =	vld [tilespmem:s26+$0x0]  }
0xa4: {  	vm4 =	vlt.u32 v0, $0x1000000;
	v0 =	vld [tilespmem:s26+$0x8000]  }
0xa5: {  	v1 =	vsel vm4, v1, v2  }
0xa6: {  	[tilespmem:s30+$0x0] =	vst v1;
	v1 =	vsel vm2, v7, v8  }
0xa7: {  	[tilespmem:s29+$0x0] =	vst v1;
	v1 =	vsel vm0, v5, v3  }
0xa8: {  	vm0 =	vmmov vm3;
	[tilespmem:s3+$0x0] =	vst v1;
	v1 =	vsel vm1, v9, v4  }
0xa9: {  	[tilespmem:s7+$0x0] =	vst v1;
	v0 =	vsel vm0, v6, v0  }
0xaa: {  	[tilespmem:s26+$0x0] =	vst v0  }
0xab: {  	s1 =	sshll.u32 s12, $0xC;
	s2 =	rddreg [dreg:$0x8]  }
0xac: {  	s1 =	sadd.s32 s1, s2  }
0xad: {  	[hbm4b:s1+s5] =	stream.linear.scatter [tilespmem:s5], [sflag:$0x3], $0x4000, $0x38;
	[tilespmem:$0x12000] =	vst v63  }
0xae: {  	_ =	swait.ge [sflag:s0], $0x4000  }
0xaf: {  	[sflag:s0] =	ssyncset.done $0x0  }
0xb0: {  	[sflag:s0] =	ssyncadd.s32 $0xFFFFC000  }
0xb1: {  	_ =	swait.ge [sflag:s0], $0x4000  }
0xb2: {  	[sflag:s0] =	ssyncset.done $0x0  }
0xb3: {  	[sflag:s0] =	ssyncadd.s32 $0xFFFFC000  }
0xb4: {  	_ =	swait.ge [sflag:s0], $0x1000  }
0xb5: {  	[sflag:s0] =	ssyncset.done $0x0  }
0xb6: {  	s1 =	simm.s32 @!p0 $0x4;
	[sflag:s0] =	ssyncadd.s32 $0xFFFFF000  }
0xb7: {  	p1 =	seq.s32 @!p0 s12, $0x7;
	_ =	swait.ge @!p0 [sflag:s1], $0x4000  }
0xb8: {  	p1 =	por p0, !p1;
	[sflag:s1] =	ssyncset.done @!p0 $0x0  }
0xb9: {  	[sflag:s1] =	ssyncadd.s32 @!p0 $0xFFFFC000;
	s1 =	rddreg @p1 [dreg:$0x9]  }
0xba: {  	s1 =	sadd.s32 @p1 s14, s1  }
0xbb: {  	s3 =	rddreg @p1 [dreg:$0x0];
	s2 =	sshll.u32 @p1 s1, $0x6  }
0xbc: {  	s22 =	simm.s32 $0x0;
	s3 =	sadd.s32 @p1 s3, s2  }
0xbd: {  	[tilespmem:s5], [sflag:$0x1] =	stream.linear.gather @p1 [hbm4b:s3+s5], $0x4000, $0x38;
	[tilespmem:$0x12000] =	vst v63  }
0xbe: {  	s23 =	simm.s32 $0x0;
	s8 =	sand.u32 $0x40, s22;
	s3 =	rddreg @p1 [dreg:$0x1]  }
0xbf: {  	s1 =	sshll.u32 @p1 s1, $0x4;
	s2 =	sadd.s32 @p1 s3, s2;
	s3 =	simm.s32 @p1 $0x8000  }
0xc0: {  	[tilespmem:s3], [sflag:$0x1] =	stream.linear.gather @p1 [hbm4b:s2+s5], $0x4000, $0x38;
	[tilespmem:$0x12000] =	vst v63  }
0xc1: {  	s29 =	simm.s32 $0x0;
	s1 =	sadd.s32 @p1 s6, s1;
	s2 =	simm.s32 @p1 $0x10000  }
0xc2: {  	[tilespmem:s2], [sflag:$0x1] =	stream.strided.gather @p1 [hbm4b:s1+s18], $0x400, s19, s18, $0x38;
	[tilespmem:$0x12000] =	vst v63  }
0xc3: {  	s4 =	sand.u32 $0x3000, s29;
	s3 =	simm.s32 @p1 $0x10400;
	s2 =	sadd.s32 @p1 $0x20, s1  }
0xc4: {  	[tilespmem:s3], [sflag:$0x1] =	stream.strided.gather @p1 [hbm4b:s2+s18], $0x400, s19, s18, $0x38;
	[tilespmem:$0x12000] =	vst v63  }
0xc5: {  	s26 =	simm.s32 $0x0;
	s2 =	sadd.s32 @p1 $0x40, s1;
	s3 =	simm.s32 @p1 $0x10800  }
0xc6: {  	[tilespmem:s3], [sflag:$0x1] =	stream.strided.gather @p1 [hbm4b:s2+s18], $0x400, s19, s18, $0x38;
	[tilespmem:$0x12000] =	vst v63  }
0xc7: {  	s1 =	sadd.s32 @p1 $0x60, s1;
	s2 =	simm.s32 @p1 $0x10C00;
	s3 =	sand.u32 $0x200, s26  }
0xc8: {  	[tilespmem:s2], [sflag:$0x1] =	stream.strided.gather @p1 [hbm4b:s1+s18], $0x400, s19, s18, $0x38;
	[tilespmem:$0x12000] =	vst v63  }
0xc9: {  	s3 =	sor.u32 s4, s3;
	s1 =	sand.u32 $0xC00, s22;
	s2 =	sand.u32 $0x3FFFFF80, s23  }
0xca: {  	s4 =	sor.u32 $0x30, s8;
	s2 =	sadd.s32 s1, s2;
	s7 =	sor.u32 s1, s3  }
0xcb: {  	s2 =	sadd.s32 $0x11000, s2;
	s9 =	sor.u32 s4, s7  }
0xcc: {  	s30 =	sor.u32 s4, s2;
	v0 =	vld [tilespmem:s9+$0x4000]  }
0xcd: {  	v1 =	vld [tilespmem:s30+$0x0]  }
0xce: {  	s17 =	sor.u32 s8, s7;
	v5 =	vld [tilespmem:s9+$0xC000]  }
0xcf: {  	s31 =	sor.u32 $0x10, s8;
	s10 =	sor.u32 s8, s2;
	v7 =	vld [tilespmem:s17+$0x4000]  }
0xd0: {  	s3 =	sor.u32 $0x20, s8;
	s15 =	sor.u32 s31, s2;
	v4 =	vld [tilespmem:s10+$0x0]  }
0xd1: {  	s2 =	sor.u32 s3, s2;
	v3 =	vld [tilespmem:s15+$0x0]  }
0xd2: {  	v2 =	vld [tilespmem:s2+$0x0];
	v6 =	vand.u32 $0xFF, v1  }
0xd3: {  	s20 =	sor.u32 s31, s7;
	vm0 =	veq.s32 v6, $0x0;
	v6 =	vld [tilespmem:s17+$0xC000]  }
0xd4: {  	s21 =	sor.u32 $0x80, s7;
	v0 =	vsel vm0, v0, v5;
	v5 =	vld [tilespmem:s20+$0x4000]  }
0xd5: {  	s22 =	sor.u32 s4, s21;
	[tilespmem:s9+$0x4000] =	vst v0;
	v0 =	vld [tilespmem:s20+$0xC000]  }
0xd6: {  	v8 =	vand.u32 $0xFF, v4;
	v41 =	vld [tilespmem:s22+$0x4000]  }
0xd7: {  	s23 =	sor.u32 s3, s7;
	vm0 =	veq.s32 v8, $0x0;
	v8 =	vld [tilespmem:s22+$0xC000]  }
0xd8: {  	v10 =	vand.u32 $0xFF, v3;
	v6 =	vsel vm0, v7, v6;
	v7 =	vld [tilespmem:s23+$0x4000]  }
0xd9: {  	s15 =	sor.u32 s8, s21;
	vm0 =	veq.s32 v10, $0x0;
	[tilespmem:s17+$0x4000] =	vst v6;
	v6 =	vld [tilespmem:s23+$0xC000]  }
0xda: {  	v42 =	vand.u32 $0xFF00, v1;
	v11 =	vld [tilespmem:s15+$0x4000];
	v0 =	vsel vm0, v5, v0  }
0xdb: {  	s26 =	sor.u32 s31, s21;
	vm0 =	veq.s32 v42, $0x0;
	v5 =	vld [tilespmem:s15+$0xC000];
	[tilespmem:s20+$0x4000] =	vst v0  }
0xdc: {  	s29 =	sor.u32 $0x100, s7;
	v0 =	vand.u32 $0xFF, v2;
	v8 =	vsel vm0, v41, v8;
	v43 =	vld [tilespmem:s26+$0x4000]  }
0xdd: {  	s30 =	sor.u32 s4, s29;
	vm0 =	veq.s32 v0, $0x0;
	[tilespmem:s22+$0x4000] =	vst v8;
	v0 =	vld [tilespmem:s26+$0xC000]  }
0xde: {  	v8 =	vand.u32 $0xFF00, v4;
	v44 =	vld [tilespmem:s30+$0x4000];
	v6 =	vsel vm0, v7, v6  }
0xdf: {  	s11 =	sor.u32 s3, s21;
	vm0 =	veq.s32 v8, $0x0;
	v7 =	vld [tilespmem:s30+$0xC000];
	[tilespmem:s23+$0x4000] =	vst v6  }
0xe0: {  	v6 =	vand.u32 $0xFF00, v3;
	v5 =	vsel vm0, v11, v5;
	v8 =	vld [tilespmem:s11+$0x4000]  }
0xe1: {  	s21 =	sor.u32 s8, s29;
	vm0 =	veq.s32 v6, $0x0;
	[tilespmem:s15+$0x4000] =	vst v5;
	v5 =	vld [tilespmem:s11+$0xC000]  }
0xe2: {  	v6 =	vand.u32 $0xFF0000, v1;
	v45 =	vld [tilespmem:s21+$0x4000];
	v0 =	vsel vm0, v43, v0  }
0xe3: {  	s23 =	sor.u32 s31, s29;
	vm0 =	veq.s32 v6, $0x0;
	v6 =	vld [tilespmem:s21+$0xC000];
	[tilespmem:s26+$0x4000] =	vst v0  }
0xe4: {  	s7 =	sor.u32 $0x180, s7;
	s22 =	simm.s32 $0x10;
	v0 =	vand.u32 $0xFF00, v2;
	v7 =	vsel vm0, v44, v7;
	v46 =	vld [tilespmem:s23+$0x4000]  }
0xe5: {  	s14 =	simm.s32 $0x200;
	s4 =	sor.u32 s4, s7;
	s2 =	sand.u32 $0x3FFFFF80, s22;
	vm0 =	veq.s32 v0, $0x0;
	v0 =	vld [tilespmem:s23+$0xC000];
	[tilespmem:s30+$0x4000] =	vst v7  }
0xe6: {  	s15 =	sor.u32 s8, s7;
	s8 =	sor.u32 s31, s7;
	s31 =	sand.u32 $0xC00, s14;
	v7 =	vand.u32 $0xFF0000, v4;
	v47 =	vld [tilespmem:s4+$0x4000];
	v5 =	vsel vm0, v8, v5  }
0xe7: {  	s9 =	simm.s32 $0x40;
	s20 =	sor.u32 s3, s29;
	s2 =	sadd.s32 s31, s2;
	vm0 =	veq.s32 v7, $0x0;
	v7 =	vld [tilespmem:s4+$0xC000];
	[tilespmem:s11+$0x4000] =	vst v5  }
0xe8: {  	s17 =	sand.u32 $0x40, s9;
	s29 =	simm.s32 $0x100;
	s2 =	sadd.s32 $0x11000, s2;
	v5 =	vand.u32 $0xFF0000, v3;
	v8 =	vld [tilespmem:s20+$0x4000]  }
0xe9: {  	s26 =	simm.s32 $0x40;
	v6 =	vsel vm0, v45, v6;
	s11 =	sand.u32 $0x3000, s29;
	s29 =	sor.u32 s17, s2;
	vm0 =	veq.s32 v5, $0x0;
	v5 =	vld [tilespmem:s20+$0xC000]  }
0xea: {  	s10 =	sand.u32 $0x200, s26;
	[tilespmem:s21+$0x4000] =	vst v6;
	v14 =	vld [tilespmem:s29+$0x0]  }
0xeb: {  	s22 =	sor.u32 $0x30, s17;
	s10 =	sor.u32 s11, s10;
	v6 =	vld [tilespmem:s15+$0x4000]  }
0xec: {  	s30 =	sor.u32 s22, s2;
	v0 =	vsel vm0, v46, v0;
	v48 =	vld [tilespmem:s15+$0xC000];
	s1 =	sor.u32 s31, s10  }
0xed: {  	[tilespmem:s23+$0x4000] =	vst v0;
	v0 =	vld [tilespmem:s30+$0x0];
	s31 =	sor.u32 s22, s1  }
0xee: {  	v12 =	vld [tilespmem:s31+$0x4000]  }
0xef: {  	s11 =	sor.u32 $0x10, s17;
	v13 =	vld [tilespmem:s31+$0xC000]  }
0xf0: {  	s21 =	sor.u32 $0x20, s17;
	s30 =	sor.u32 s11, s2;
	v49 =	vld [tilespmem:s8+$0x4000]  }
0xf1: {  	s2 =	sor.u32 s21, s2;
	v15 =	vld [tilespmem:s30+$0x0]  }
0xf2: {  	s23 =	sor.u32 s17, s1;
	v16 =	vld [tilespmem:s2+$0x0];
	v17 =	vand.u32 $0xFF, v0  }
0xf3: {  	v18 =	vld [tilespmem:s23+$0x4000];
	vm0 =	veq.s32 v17, $0x0  }
0xf4: {  	s26 =	sor.u32 $0x80, s1;
	s29 =	sor.u32 s21, s1;
	v50 =	vld [tilespmem:s23+$0xC000];
	v12 =	vsel vm0, v12, v13  }
0xf5: {  	v53 =	vld [tilespmem:s29+$0x4000];
	[tilespmem:s31+$0x4000] =	vst v12;
	s31 =	sor.u32 s22, s26  }
0xf6: {  	v12 =	vld [tilespmem:s31+$0x4000]  }
0xf7: {  	s2 =	sor.u32 s11, s1;
	v20 =	vld [tilespmem:s31+$0xC000]  }
0xf8: {  	v51 =	vld [tilespmem:s2+$0x4000];
	v19 =	vand.u32 $0xFF, v14  }
0xf9: {  	v52 =	vld [tilespmem:s2+$0xC000];
	vm0 =	veq.s32 v19, $0x0  }
0xfa: {  	v54 =	vld [tilespmem:s29+$0xC000];
	v21 =	vand.u32 $0xFF00, v0;
	v17 =	vsel vm0, v18, v50  }
0xfb: {  	s30 =	sor.u32 s17, s26;
	v57 =	vld [tilespmem:s8+$0xC000];
	vm0 =	veq.s32 v21, $0x0;
	[tilespmem:s23+$0x4000] =	vst v17  }
0xfc: {  	s28 =	sor.u32 $0x100, s1;
	v55 =	vand.u32 $0xFF, v15;
	v22 =	vld [tilespmem:s30+$0x4000];
	v12 =	vsel vm0, v12, v20  }
0xfd: {  	s23 =	sor.u32 s22, s28;
	v56 =	vld [tilespmem:s30+$0xC000];
	vm0 =	veq.s32 v55, $0x0;
	[tilespmem:s31+$0x4000] =	vst v12  }
0xfe: {  	v58 =	vand.u32 $0xFF0000, v2;
	v59 =	vand.u32 $0xFF, v16;
	v13 =	vsel vm0, v51, v52;
	v23 =	vld [tilespmem:s23+$0x4000]  }
0xff: {  	vm2 =	vlt.u32 v4, $0x1000000;
	vm3 =	vlt.u32 v3, $0x1000000;
	vm1 =	veq.s32 v59, $0x0;
	[tilespmem:s2+$0x4000] =	vst v13;
	s2 =	sor.u32 s11, s26;
	v4 =	vld [tilespmem:s23+$0xC000]  }
0x100: {  	vm4 =	vlt.u32 v2, $0x1000000;
	v60 =	vand.u32 $0xFF00, v14;
	v3 =	vsel vm1, v53, v54;
	v61 =	vld [tilespmem:s2+$0x4000]  }
0x101: {  	vm5 =	veq.s32 v60, $0x0;
	v62 =	vand.u32 $0xFF0000, v0;
	vm1 =	vlt.u32 v1, $0x1000000;
	[tilespmem:s29+$0x4000] =	vst v3;
	s31 =	sor.u32 s21, s26;
	v1 =	vld [tilespmem:s2+$0xC000]  }
0x102: {  	v2 =	vsel vm1, v47, v7;
	vm0 =	veq.s32 v58, $0x0;
	v3 =	vsel vm5, v22, v56;
	v7 =	vld [tilespmem:s31+$0x4000]  }
0x103: {  	v63 =	vand.u32 $0xFF0000, v15;
	v5 =	vsel vm0, v8, v5;
	[tilespmem:s30+$0x4000] =	vst v3;
	s26 =	sor.u32 s17, s28;
	vm0 =	veq.s32 v62, $0x0;
	v8 =	vld [tilespmem:s31+$0xC000]  }
0x104: {  	s1 =	sor.u32 $0x180, s1;
	[tilespmem:s4+$0x4000] =	vst v2;
	v2 =	vand.u32 $0xFF00, v15;
	v3 =	vsel vm2, v6, v48;
	v6 =	vld [tilespmem:s26+$0x4000];
	v4 =	vsel vm0, v23, v4  }
0x105: {  	vm1 =	vmmov vm3;
	s22 =	sor.u32 s22, s1;
	vm2 =	veq.s32 v2, $0x0;
	v2 =	vand.u32 $0xFF00, v16;
	[tilespmem:s23+$0x4000] =	vst v4;
	v4 =	vld [tilespmem:s26+$0xC000]  }
0x106: {  	[tilespmem:s20+$0x4000] =	vst v5;
	v5 =	vand.u32 $0xFF0000, v14;
	vm3 =	veq.s32 v2, $0x0;
	v2 =	vsel vm2, v61, v1;
	v1 =	vld [tilespmem:s22+$0x4000]  }
0x107: {  	vm7 =	vlt.u32 v15, $0x1000000;
	vm5 =	veq.s32 v63, $0x0;
	vm6 =	veq.s32 v5, $0x0;
	s23 =	sor.u32 s11, s28;
	[tilespmem:s2+$0x4000] =	vst v2;
	v2 =	vld [tilespmem:s22+$0xC000]  }
0x108: {  	[tilespmem:s15+$0x4000] =	vst v3;
	v5 =	vand.u32 $0xFF0000, v16;
	vm0 =	vmmov vm4;
	v7 =	vsel vm3, v7, v8;
	v3 =	vld [tilespmem:s23+$0x4000]  }
0x109: {  	s3 =	sor.u32 s3, s7;
	s7 =	sor.u32 s11, s1;
	s4 =	sor.u32 s21, s28;
	vm4 =	veq.s32 v5, $0x0;
	v8 =	vsel vm1, v49, v57;
	vm3 =	vlt.u32 v16, $0x1000000;
	[tilespmem:s31+$0x4000] =	vst v7;
	v5 =	vld [tilespmem:s23+$0xC000]  }
0x10a: {  	s15 =	simm.s32 $0x4;
	vm1 =	vmmov vm7;
	vm2 =	vlt.u32 v14, $0x1000000;
	[tilespmem:s8+$0x4000] =	vst v8;
	s28 =	sor.u32 s17, s1;
	s11 =	sor.u32 s21, s1;
	v6 =	vsel vm6, v6, v4;
	v4 =	vld [tilespmem:s4+$0x4000]  }
.LBB2_5:
0x10b: {  	s15 =	sadd.s32 $0x4, s15;
	[tilespmem:s26+$0x4000] =	vst v6;
	v6 =	vld [tilespmem:s4+$0xC000];
	vm6 =	vlt.u32 v0, $0x1000000;
	s14 =	sadd.s32 $0x200, s14;
	s9 =	sadd.s32 $0x40, s9  }
0x10c: {  	s8 =	sand.u32 $0x40, s9;
	s1 =	sand.u32 $0xC00, s14;
	s2 =	sshll.u32 s15, $0x2;
	v7 =	vld [tilespmem:s28+$0x4000];
	v0 =	vsel vm6, v1, v2  }
0x10d: {  	s10 =	sshll.u32 s15, $0x4;
	s17 =	sshll.u32 s15, $0x6;
	s2 =	sand.u32 $0x3FFFFF80, s2;
	v1 =	vld [tilespmem:s28+$0xC000];
	[tilespmem:s22+$0x4000] =	vst v0  }
0x10e: {  	s17 =	sand.u32 $0x3000, s17;
	s10 =	sand.u32 $0x200, s10;
	s2 =	sadd.s32 s1, s2;
	v0 =	vsel vm5, v3, v5;
	v2 =	vld [tilespmem:s3+$0x4000]  }
0x10f: {  	s10 =	sor.u32 s17, s10;
	s17 =	sor.u32 $0x30, s8;
	s2 =	sadd.s32 $0x11000, s2;
	[tilespmem:s23+$0x4000] =	vst v0;
	v3 =	vld [tilespmem:s3+$0xC000]  }
0x110: {  	s20 =	sor.u32 $0x10, s8;
	s22 =	sor.u32 s1, s10;
	s1 =	sor.u32 s17, s2;
	v5 =	vld [tilespmem:s7+$0x4000];
	v4 =	vsel vm4, v4, v6  }
0x111: {  	s21 =	sor.u32 $0x20, s8;
	s10 =	sor.u32 s8, s2;
	s23 =	sor.u32 s17, s22;
	v0 =	vld [tilespmem:s1+$0x0];
	[tilespmem:s4+$0x4000] =	vst v4  }
0x112: {  	s26 =	sor.u32 s8, s22;
	s1 =	sor.u32 s20, s2;
	s2 =	sor.u32 s21, s2;
	v4 =	vld [tilespmem:s23+$0x4000];
	v1 =	vsel vm2, v7, v1  }
0x113: {  	p0 =	slt.u32 s15, $0xFC;
	s30 =	sor.u32 s21, s22;
	s4 =	sor.u32 s20, s22;
	v6 =	vld [tilespmem:s23+$0xC000];
	[tilespmem:s28+$0x4000] =	vst v1  }
0x114: {  	v1 =	vld [tilespmem:s10+$0x0];
	v2 =	vsel vm0, v2, v3;
	vm0 =	vmmov vm3  }
0x115: {  	v3 =	vld [tilespmem:s1+$0x0];
	[tilespmem:s3+$0x4000] =	vst v2;
	s3 =	smov.u32 s11  }
0x116: {  	v2 =	vld [tilespmem:s2+$0x0];
	v7 =	vand.u32 $0xFF, v0  }
0x117: {  	v8 =	vld [tilespmem:s26+$0x4000];
	vm2 =	veq.s32 v7, $0x0  }
0x118: {  	s2 =	sor.u32 $0x80, s22;
	v7 =	vld [tilespmem:s26+$0xC000];
	v4 =	vsel vm2, v4, v6  }
0x119: {  	s11 =	sor.u32 s8, s2;
	s1 =	sor.u32 s20, s2;
	s10 =	sor.u32 s17, s2;
	v6 =	vand.u32 $0xFF, v1;
	v9 =	vand.u32 $0xFF00, v1;
	v10 =	vand.u32 $0xFF0000, v1;
	v11 =	vld [tilespmem:s4+$0x4000];
	[tilespmem:s23+$0x4000] =	vst v4  }
0x11a: {  	s29 =	sor.u32 s21, s2;
	vm2 =	veq.s32 v6, $0x0;
	v4 =	vand.u32 $0xFF, v3;
	v6 =	vand.u32 $0xFF00, v3;
	v12 =	vld [tilespmem:s10+$0x4000]  }
0x11b: {  	vm3 =	veq.s32 v4, $0x0;
	v4 =	vand.u32 $0xFF, v2;
	v13 =	vand.u32 $0xFF00, v2;
	v14 =	vld [tilespmem:s10+$0xC000]  }
0x11c: {  	vm9 =	veq.s32 v9, $0x0;
	vm8 =	veq.s32 v6, $0x0;
	v9 =	vld [tilespmem:s4+$0xC000];
	vm10 =	veq.s32 v4, $0x0  }
0x11d: {  	v6 =	vand.u32 $0xFF0000, v3;
	vm7 =	veq.s32 v13, $0x0;
	v4 =	vsel vm2, v8, v7;
	v7 =	vld [tilespmem:s30+$0x4000]  }
0x11e: {  	vm6 =	veq.s32 v10, $0x0;
	v10 =	vand.u32 $0xFF00, v0;
	v8 =	vand.u32 $0xFF0000, v2;
	[tilespmem:s26+$0x4000] =	vst v4;
	v4 =	vld [tilespmem:s30+$0xC000]  }
0x11f: {  	vm11 =	veq.s32 v10, $0x0;
	vm5 =	veq.s32 v6, $0x0;
	vm4 =	veq.s32 v8, $0x0;
	v13 =	vld [tilespmem:s11+$0x4000]  }
0x120: {  	s2 =	sor.u32 $0x100, s22;
	vm12 =	vlt.u32 v3, $0x1000000;
	vm2 =	vlt.u32 v1, $0x1000000;
	v6 =	vld [tilespmem:s11+$0xC000];
	v1 =	vsel vm11, v12, v14  }
0x121: {  	s23 =	sor.u32 s20, s2;
	s26 =	sor.u32 s8, s2;
	v3 =	vsel vm3, v11, v9;
	vm3 =	vlt.u32 v2, $0x1000000;
	[tilespmem:s10+$0x4000] =	vst v1;
	s10 =	sor.u32 s17, s2;
	v1 =	vld [tilespmem:s7+$0xC000]  }
0x122: {  	[tilespmem:s4+$0x4000] =	vst v3;
	s4 =	sor.u32 s21, s2;
	v2 =	vld [tilespmem:s10+$0x4000]  }
0x123: {  	v3 =	vsel vm10, v7, v4;
	v4 =	vld [tilespmem:s10+$0xC000]  }
0x124: {  	v7 =	vld [tilespmem:s1+$0x4000];
	[tilespmem:s30+$0x4000] =	vst v3  }
0x125: {  	v3 =	vsel vm9, v13, v6;
	v6 =	vld [tilespmem:s1+$0xC000]  }
0x126: {  	[tilespmem:s11+$0x4000] =	vst v3;
	v8 =	vld [tilespmem:s29+$0x4000];
	v3 =	vand.u32 $0xFF0000, v0;
	v1 =	vsel vm1, v5, v1;
	vm1 =	vmmov vm12  }
0x127: {  	v5 =	vld [tilespmem:s29+$0xC000];
	vm9 =	veq.s32 v3, $0x0;
	[tilespmem:s7+$0x4000] =	vst v1  }
0x128: {  	s2 =	sor.u32 $0x180, s22;
	v9 =	vld [tilespmem:s26+$0x4000];
	v1 =	vsel vm9, v2, v4  }
0x129: {  	s28 =	sor.u32 s8, s2;
	s22 =	sor.u32 s17, s2;
	s7 =	sor.u32 s20, s2;
	v4 =	vld [tilespmem:s26+$0xC000];
	[tilespmem:s10+$0x4000] =	vst v1  }
.Ltmp1:
0x12a: {  	s11 =	sor.u32 s21, s2;
	v2 =	vsel vm8, v7, v6;
	v1 =	vld [tilespmem:s22+$0x4000];
	(pc) =	sbr.rel @p0 .LBB2_5-.Ltmp1, $4  }
0x12b: {  	[tilespmem:s1+$0x4000] =	vst v2;
	v2 =	vld [tilespmem:s22+$0xC000]  }
0x12c: {  	v3 =	vld [tilespmem:s23+$0x4000];
	v6 =	vsel vm7, v8, v5  }
0x12d: {  	v5 =	vld [tilespmem:s23+$0xC000];
	[tilespmem:s29+$0x4000] =	vst v6  }
0x12e: {  	v6 =	vsel vm6, v9, v4;
	v4 =	vld [tilespmem:s4+$0x4000]  }
0x12f: {  	v55 =	vld [tilespmem:s4+$0xC000]  }
0x130: {  	v56 =	vld [tilespmem:s3+$0x4000]  }
0x131: {  	[tilespmem:s26+$0x4000] =	vst v6;
	v57 =	vld [tilespmem:s3+$0xC000]  }
0x132: {  	v7 =	vld [tilespmem:s28+$0x4000];
	v3 =	vsel vm5, v3, v5  }
0x133: {  	v8 =	vld [tilespmem:s28+$0xC000];
	[tilespmem:s23+$0x4000] =	vst v3  }
0x134: {  	v9 =	vld [tilespmem:s7+$0x4000];
	v4 =	vsel vm4, v4, v55  }
0x135: {  	v58 =	vld [tilespmem:s7+$0xC000];
	[tilespmem:s4+$0x4000] =	vst v4  }
0x136: {  	v59 =	vld [tilespmem:s11+$0x4000]  }
0x137: {  	vm14 =	vlt.u32 v0, $0x1000000;
	v60 =	vld [tilespmem:s11+$0xC000]  }
0x138: {  	s12 =	sadd.s32 $0x1, s12;
	v1 =	vsel vm14, v1, v2  }
0x139: {  	p0 =	sne.s32 s12, $0x8;
	[tilespmem:s22+$0x4000] =	vst v1;
	v62 =	vsel vm0, v56, v57  }
.Ltmp2:
0x13a: {  	v61 =	vsel vm2, v7, v8;
	[tilespmem:s3+$0x4000] =	vst v62;
	(pc) =	sbr.rel @p0 .LBB2_2-.Ltmp2, $4  }
0x13b: {  	vm15 =	vmmov vm3;
	[tilespmem:s28+$0x4000] =	vst v61;
	v63 =	vsel vm1, v9, v58  }
0x13c: {  	s1 =	rddreg [dreg:$0x3];
	[tilespmem:s7+$0x4000] =	vst v63;
	v0 =	vsel vm15, v59, v60  }
0x13d: {  	s1 =	sadd.s32 s1, s13;
	[tilespmem:s11+$0x4000] =	vst v0  }
0x13e: {  	[hbm4b:s1+s5] =	stream.linear.scatter [tilespmem:s25], [sflag:$0x4], $0x4000, $0x38;
	[tilespmem:$0x12000] =	vst v63  }
0x13f: {  	s1 =	simm.s32 $0x3  }
0x140: {  	_ =	swait.ge [sflag:s1], $0x4000  }
0x141: {  	[sflag:s1] =	ssyncset.done $0x0  }
0x142: {  	s2 =	simm.s32 $0x4;
	[sflag:s1] =	ssyncadd.s32 $0xFFFFC000  }
0x143: {  	_ =	swait.ge [sflag:s2], $0x4000  }
0x144: {  	s3 =	rddreg [dreg:$0xe]  }
0x145: {  	s31 =	rddreg [dreg:$0xa];
	s3 =	sadd.s32 $0x1, s3  }
0x146: {  	p0 =	sne.s32 s3, s31  }
.Ltmp3:
0x147: {  	_ = 	snop;
	(pc) =	sbr.rel @p0 .LBB2_1-.Ltmp3, $3  }
0x148: {  	_ =	sdelay $0x1  }
0x149: {  	[sflag:s2] =	ssyncset.done $0x0  }
0x14a: {  	[sflag:s2] =	ssyncadd.s32 $0xFFFFC000  }
0x14b: {  	_ =	sfence.sel $0x180000  }
0x14c: {  	[bflag:$0x0] =	sbarrier.arrive $0xFFFF  }
0x14d: {  	_ =	strace $0x90000047  }
0x14e: {  	s0 =	stileid.u32;
	[bflag:$0x2] =	sbarrier.arrive $0xFFFF  }
0x14f: {  	p0 =	sne.s32 s0, $0x0;
	s0 =	rddreg [dreg:$0x4]  }
0x150: {  	s0 =	sadd.s32 @!p0 $0x100000, s0  }
0x151: {  	[sflag:s0] =	ssyncadd.tile.s32 @!p0 $0x1;
	_ =	shalt  }
.Lfunc_end2:
_tile_overlayer_lowered:
.L_overlay_start_2:
0x152: {  	(tag) =	ssettag $0x2  }
0x153: {  	s0 =	rddreg [dreg:$0x0];
	s2 =	stileid.u32  }
0x154: {  	s1 =	rddreg [dreg:$0x1];
	p0 =	sne.s32 s2, $0x0  }
0x155: {  	s3 =	rddreg [dreg:$0x2];
	[bflag:$0x3] =	sbarrier.arrive $0xFFFF;
	s2 =	simm.s32 @!p0 $0x1C05  }
0x156: {  	[timem:s3], [sflag:s2] =	dma.local @!p0 [hbm:s0], s1  }
0x157: {  	s0 =	simm.s32 @!p0 $0x5  }
0x158: {  	_ =	swait.ge @!p0 [sflag:s0], s1  }
0x159: {  	s1 =	ssub.s32 @!p0 $0x0, s1;
	[sflag:s0] =	ssyncset.done @!p0 $0x0  }
0x15a: {  	[sflag:s0] =	ssyncadd.s32 @!p0 s1  }
0x15b: {  	[bflag:$0x3] =	sbarrier.arrive $0xFFFF  }
0x15c: {  	_ =	shalt  }

</sc_bundles>
